<compile_context>
chip_gen: v7x
topology: tpu7x:2x2x1
jax: 0.10.2.dev20260603
libtpu: 0.0.44.dev20260713+nightly
codegen_flags: <defaults>
</compile_context>

<pallas_src>
import functools

import jax
import jax.numpy as jnp
from jax import lax
from jax.experimental import pallas as pl
from jax.experimental.pallas import tpu as pltpu
from jax.experimental.pallas import tpu_sc as plsc

N_NODES = 10000
N_EDGES = 320000
D_IN = 128
D_HID = 128
N_CLASSES = 40

NPAD = 10240
CW = 128
CHUNK = 128
NW = 32
NCHUNK = N_EDGES // CHUNK
CPT = NCHUNK // NW
REM = NCHUNK - CPT * NW
NSUB = 16
RPT = NPAD // NSUB



def _zero_rows(buf, nrows, width):
    def outer(r, _):
        def inner(j, _):
            buf[r, pl.ds(j * 16, 16)] = jnp.zeros((16,), jnp.float32)
            return 0
        lax.fori_loop(0, width // 16, inner, 0)
        return 0
    lax.fori_loop(0, nrows, outer, 0)


def _deg_kernel(dst1d):
    mesh = plsc.VectorSubcoreMesh(core_axis_name="c", subcore_axis_name="s")

    @functools.partial(
        pl.kernel,
        out_type=jax.ShapeDtypeStruct((2, NPAD), jnp.float32),
        mesh=mesh,
        scratch_types=[
            pltpu.VMEM((CPT, CHUNK), jnp.int32),
            pltpu.VMEM((CHUNK,), jnp.int32),
            pltpu.VMEM((CHUNK,), jnp.float32),
            pltpu.VMEM((RPT,), jnp.float32),
            pltpu.SemaphoreType.DMA,
            pltpu.SemaphoreType.DMA,
            pltpu.VMEM_SHARED((NPAD,), jnp.float32),
        ],
    )
    def deg(dst_hbm, out_hbm, di2, dx, ones_v, row_v, sem, sem2, acc):
        c = lax.axis_index("c")
        s = lax.axis_index("s")
        wid = c * NSUB + s
        e0 = wid * CPT * CHUNK

        def ld(t, _):
            pltpu.async_copy(
                dst_hbm.at[pl.ds(e0 + t * CHUNK, CHUNK)], di2.at[t], sem)
            return 0
        lax.fori_loop(0, CPT, ld, 0)

        def fill(i, _):
            ones_v[pl.ds(i * 16, 16)] = jnp.ones((16,), jnp.float32)
            return 0
        lax.fori_loop(0, CHUNK // 16, fill, 0)

        def fill0(i, _):
            row_v[pl.ds(i * 16, 16)] = jnp.zeros((16,), jnp.float32)
            return 0
        lax.fori_loop(0, RPT // 16, fill0, 0)
        pltpu.sync_copy(row_v, acc.at[pl.ds(s * RPT, RPT)])

        def dr(t, _):
            pltpu.make_async_copy(
                dst_hbm.at[pl.ds(e0, CHUNK)], di2.at[t], sem).wait()
            return 0
        lax.fori_loop(0, CPT, dr, 0)
        plsc.subcore_barrier()

        def sc(t, _):
            pltpu.async_copy(ones_v, acc.at[di2.at[t]], sem2, add=True)
            return 0
        lax.fori_loop(0, CPT, sc, 0)

        @pl.when(wid < REM)
        def _():
            base = (NW * CPT + wid) * CHUNK
            pltpu.sync_copy(dst_hbm.at[pl.ds(base, CHUNK)], dx)
            pltpu.sync_copy(ones_v, acc.at[dx], add=True)

        def dr2(t, _):
            pltpu.make_async_copy(ones_v, acc.at[di2.at[t]], sem2).wait()
            return 0
        lax.fori_loop(0, CPT, dr2, 0)
        plsc.subcore_barrier()
        pltpu.sync_copy(acc.at[pl.ds(s * RPT, RPT)], row_v)
        pltpu.sync_copy(row_v, out_hbm.at[c, pl.ds(s * RPT, RPT)])

    return deg(dst1d)


def _edge_scatter(g, src1d, dst1d, width):
    mesh = plsc.VectorSubcoreMesh(core_axis_name="c", subcore_axis_name="s")

    @functools.partial(
        pl.kernel,
        out_type=jax.ShapeDtypeStruct((2, NPAD, width), jnp.float32),
        mesh=mesh,
        scratch_types=[
            pltpu.VMEM((CPT * CHUNK,), jnp.int32),
            pltpu.VMEM((CHUNK,), jnp.int32),
            [pltpu.VMEM((CHUNK,), jnp.int32)] * 2,
            [pltpu.VMEM((CHUNK, width), jnp.float32)] * 2,
            [pltpu.SemaphoreType.DMA] * 2,
            [pltpu.SemaphoreType.DMA] * 2,
            pltpu.VMEM_SHARED((NPAD, width), jnp.float32),
        ],
    )
    def scat(g_hbm, src_hbm, dst_hbm, out_hbm,
             sb, sx, dis, rowss, sgs, sds, acc):
        c = lax.axis_index("c")
        s = lax.axis_index("s")
        wid = c * NSUB + s
        e0 = wid * CPT * CHUNK
        DEPTH = 2

        _zero_rows(rowss[0], CHUNK, width)
        def z(k, _):
            pltpu.sync_copy(rowss[0], acc.at[pl.ds(s * RPT + k * CHUNK, CHUNK)])
            return 0
        lax.fori_loop(0, RPT // CHUNK, z, 0)
        plsc.subcore_barrier()

        pltpu.sync_copy(src_hbm.at[pl.ds(e0, CPT * CHUNK)], sb)

        def src_at(t):
            return sb.at[pl.ds(t * CHUNK, CHUNK)]

        def start_gather(t, b):
            pltpu.async_copy(g_hbm.at[src_at(t)], rowss[b], sgs[b])

        def start_dst(t, b):
            pltpu.async_copy(
                dst_hbm.at[pl.ds(e0 + t * CHUNK, CHUNK)], dis[b], sds[b])

        for b in range(DEPTH):
            start_dst(b, b)
            start_gather(b, b)

        def slot(t, b):
            pltpu.make_async_copy(g_hbm.at[src_at(t)], rowss[b], sgs[b]).wait()
            pltpu.make_async_copy(
                dst_hbm.at[pl.ds(e0, CHUNK)], dis[b], sds[b]).wait()
            pltpu.sync_copy(rowss[b], acc.at[dis[b]], add=True)

            @pl.when(t + DEPTH < CPT)
            def _():
                start_dst(t + DEPTH, b)
                start_gather(t + DEPTH, b)

        def body(i, _):
            t0 = DEPTH * i
            for b in range(DEPTH):
                slot(t0 + b, b)
            return 0
        lax.fori_loop(0, CPT // DEPTH, body, 0)
        for b in range(CPT - DEPTH * (CPT // DEPTH)):
            slot(DEPTH * (CPT // DEPTH) + b, b)

        @pl.when(wid < REM)
        def _():
            base = (NW * CPT + wid) * CHUNK
            pltpu.sync_copy(src_hbm.at[pl.ds(base, CHUNK)], sx)
            pltpu.sync_copy(dst_hbm.at[pl.ds(base, CHUNK)], dis[0])
            pltpu.async_copy(g_hbm.at[sx], rowss[0], sgs[0]).wait()
            pltpu.sync_copy(rowss[0], acc.at[dis[0]], add=True)

        plsc.subcore_barrier()

        def rd(k, _):
            r0 = s * RPT + k * CHUNK
            pltpu.sync_copy(acc.at[pl.ds(r0, CHUNK)], rowss[0])
            pltpu.sync_copy(rowss[0], out_hbm.at[c, pl.ds(r0, CHUNK)])
            return 0
        lax.fori_loop(0, RPT // CHUNK, rd, 0)

    return scat(g, src1d, dst1d)



_BM = 256


def _tc_scale_matmul(xp, w, dinv_col):
    k = xp.shape[1]
    n = w.shape[1]

    def body(x_ref, w_ref, d_ref, o_ref):
        h = jnp.dot(x_ref[...], w_ref[...], preferred_element_type=jnp.float32)
        o_ref[...] = h * d_ref[...]

    return pl.pallas_call(
        body,
        grid=(NPAD // _BM,),
        in_specs=[
            pl.BlockSpec((_BM, k), lambda i: (i, 0)),
            pl.BlockSpec((k, n), lambda i: (0, 0)),
            pl.BlockSpec((_BM, 1), lambda i: (i, 0)),
        ],
        out_specs=pl.BlockSpec((_BM, n), lambda i: (i, 0)),
        out_shape=jax.ShapeDtypeStruct((NPAD, n), jnp.float32),
    )(xp, w, dinv_col)


def _tc_mid(parts, g1, dinv_col, b1row, w2):
    n = w2.shape[1]

    def body(p_ref, g_ref, d_ref, b_ref, w_ref, o_ref):
        d = d_ref[...]
        z = (p_ref[0] + p_ref[1] + g_ref[...]) * d + b_ref[...]
        z = jnp.maximum(z, 0.0)
        o_ref[...] = jnp.dot(z, w_ref[...], preferred_element_type=jnp.float32) * d

    return pl.pallas_call(
        body,
        grid=(NPAD // _BM,),
        in_specs=[
            pl.BlockSpec((2, _BM, D_HID), lambda i: (0, i, 0)),
            pl.BlockSpec((_BM, D_HID), lambda i: (i, 0)),
            pl.BlockSpec((_BM, 1), lambda i: (i, 0)),
            pl.BlockSpec((1, D_HID), lambda i: (0, 0)),
            pl.BlockSpec((D_HID, n), lambda i: (0, 0)),
        ],
        out_specs=pl.BlockSpec((_BM, n), lambda i: (i, 0)),
        out_shape=jax.ShapeDtypeStruct((NPAD, n), jnp.float32),
    )(parts, g1, dinv_col, b1row, w2)


def _tc_final(parts, g2, dinv_col, b2row):
    n = g2.shape[1]

    def body(p_ref, g_ref, d_ref, b_ref, o_ref):
        o_ref[...] = (p_ref[0] + p_ref[1] + g_ref[...]) * d_ref[...] + b_ref[...]

    return pl.pallas_call(
        body,
        grid=(NPAD // _BM,),
        in_specs=[
            pl.BlockSpec((2, _BM, n), lambda i: (0, i, 0)),
            pl.BlockSpec((_BM, n), lambda i: (i, 0)),
            pl.BlockSpec((_BM, 1), lambda i: (i, 0)),
            pl.BlockSpec((1, n), lambda i: (0, 0)),
        ],
        out_specs=pl.BlockSpec((_BM, n), lambda i: (i, 0)),
        out_shape=jax.ShapeDtypeStruct((NPAD, n), jnp.float32),
    )(parts, g2, dinv_col, b2row)



@jax.jit
def kernel(x, edge_index, W1, b1, W2, b2):
    ei = edge_index.astype(jnp.int32)
    src1d = ei[0]
    dst1d = ei[1]
    xp = jnp.pad(x, ((0, NPAD - N_NODES), (0, 0)))

    deg = _deg_kernel(dst1d)
    dinv_col = lax.rsqrt(deg[0] + deg[1] + 1.0)[:, None]

    g1 = _tc_scale_matmul(xp, W1, dinv_col)
    parts1 = _edge_scatter(g1, src1d, dst1d, D_HID)

    w2p = jnp.pad(W2, ((0, 0), (0, CW - N_CLASSES)))
    b2p = jnp.pad(b2, (0, CW - N_CLASSES))
    g2 = _tc_mid(parts1, g1, dinv_col, b1[None, :], w2p)
    parts2 = _edge_scatter(g2, src1d, dst1d, CW)

    outp = _tc_final(parts2, g2, dinv_col, b2p[None, :])
    return outp[:N_NODES, :N_CLASSES]

# --- scband reference (transcript-rebuilt; emitter-appended) ---
"""Pipeline reference for scband-gcnnet-30597347017235 (READ-ONLY COPY).

The authoritative reference and input builder live on the scoring server;
editing this copy changes nothing except your own understanding.
"""

import jax, jax.numpy as jnp
import numpy as np

N_NODES = 10000
N_EDGES = 320000
D_IN = 128
D_HID = 128
N_CLASSES = 40


def gcn_conv(x, edge_index, W, b):
    n = x.shape[0]
    loop = jnp.arange(n, dtype=edge_index.dtype)
    src = jnp.concatenate([edge_index[0], loop])
    dst = jnp.concatenate([edge_index[1], loop])
    deg = jax.ops.segment_sum(jnp.ones(src.shape[0], dtype=x.dtype), dst, num_segments=n)
    dinv = jnp.where(deg > 0, 1.0 / jnp.sqrt(deg), 0.0)
    norm = dinv[src] * dinv[dst]
    h = x @ W
    msgs = h[src] * norm[:, None]
    out = jax.ops.segment_sum(msgs, dst, num_segments=n)
    return out + b


def setup_inputs(seed: int = 0) -> dict:
    key = jax.random.key(seed)
    k1, k2, k3, k4 = jax.random.split(key, 4)
    x = jax.random.normal(k1, (N_NODES, D_IN), dtype=jnp.float32)
    edge_index = jax.random.randint(k2, (2, N_EDGES), 0, N_NODES, dtype=jnp.int64)
    W1 = jax.random.normal(k3, (D_IN, D_HID), dtype=jnp.float32) * (1.0 / np.sqrt(D_IN))
    b1 = jnp.zeros((D_HID,), dtype=jnp.float32)
    W2 = jax.random.normal(k4, (D_HID, N_CLASSES), dtype=jnp.float32) * (1.0 / np.sqrt(D_HID))
    b2 = jnp.zeros((N_CLASSES,), dtype=jnp.float32)
    return {"x": x, "edge_index": edge_index, "W1": W1, "b1": b1, "W2": W2, "b2": b2}


def reference(x, edge_index, W1, b1, W2, b2):
    h = gcn_conv(x, edge_index, W1, b1)
    h = jax.nn.relu(h)
    out = gcn_conv(h, edge_index, W2, b2)
    return out

if __name__ == "__main__":
    import jax
    _d = setup_inputs()
    print(jax.jit(kernel)(*tuple(_d.values())))

</pallas_src>

<mosaic_0001>
#map = affine_map<(d0, d1) -> (0, 0)>
#map1 = affine_map<(d0, d1) -> (0)>
#map2 = affine_map<(d0, d1) -> (0, 0, 0)>
module attributes {stable_mosaic.version = 14 : i64} {
  func.func @scat(%arg0: i32, %arg1: i32, %arg2: memref<10240x128xf32, #tpu.memory_space<hbm>>, %arg3: memref<320000xi32, #tpu.memory_space<hbm>>, %arg4: memref<320000xi32, #tpu.memory_space<hbm>>, %arg5: memref<2x10240x128xf32, #tpu.memory_space<hbm>>, %arg6: memref<9984xi32, #tpu.memory_space<vmem>>, %arg7: memref<128xi32, #tpu.memory_space<vmem>>, %arg8: memref<128xi32, #tpu.memory_space<vmem>>, %arg9: memref<128xi32, #tpu.memory_space<vmem>>, %arg10: memref<128x128xf32, #tpu.memory_space<vmem>>, %arg11: memref<128x128xf32, #tpu.memory_space<vmem>>, %arg12: memref<!tpu.dma_semaphore, #tpu.memory_space<semaphore_mem>>, %arg13: memref<!tpu.dma_semaphore, #tpu.memory_space<semaphore_mem>>, %arg14: memref<!tpu.dma_semaphore, #tpu.memory_space<semaphore_mem>>, %arg15: memref<!tpu.dma_semaphore, #tpu.memory_space<semaphore_mem>>, %arg16: memref<10240x128xf32, #tpu.memory_space<vmem_shared>>) attributes {dimension_semantics = [#tpu.dimension_semantics<core_parallel>, #tpu.dimension_semantics<subcore_parallel>], iteration_bounds = array<i64: 2, 16>, scalar_prefetch = 0 : i64, scratch_operands = 11 : i64, tpu.core_type = #tpu.core_type<sc_vector_subcore>, window_params = [{transform_indices = #map}, {transform_indices = #map1}, {transform_indices = #map1}, {transform_indices = #map2}]} {
    %mul3A = arith.constant 16 : i32
    %mul3A_0 = arith.muli %arg0, %mul3A : i32
    %add3A = arith.addi %mul3A_0, %arg1 : i32
    %mul3A_1 = arith.constant 78 : i32
    %mul3A_2 = arith.muli %add3A, %mul3A_1 : i32
    %mul3A_3 = arith.constant 128 : i32
    %mul3A_4 = arith.muli %mul3A_2, %mul3A_3 : i32
    %scan3A = arith.constant 0 : i32
    %scan3A_5 = arith.constant 0 : i32
    %scan3A_6 = arith.constant 128 : i32
    %scan3A_7 = arith.addi %scan3A_5, %scan3A_6 : i32
    %scan3A_8 = arith.constant 1 : i32
    %scan3A_9 = scf.for %scan3A_52 = %scan3A_5 to %scan3A_7 step %scan3A_8 iter_args(%scan3A_53 = %scan3A) -> (i32)  : i32 {
      %scan3A_54 = arith.constant 0 : i32
      %scan3A_55 = arith.constant 0 : i32
      %scan3A_56 = arith.constant 8 : i32
      %scan3A_57 = arith.addi %scan3A_55, %scan3A_56 : i32
      %scan3A_58 = arith.constant 1 : i32
      %scan3A_59 = scf.for %scan3A_62 = %scan3A_55 to %scan3A_57 step %scan3A_58 iter_args(%scan3A_63 = %scan3A_54) -> (i32)  : i32 {
        %broadcast_in_dim3A = arith.constant 0.000000e+00 : f32
        %broadcast_in_dim3A_64 = vector.broadcast %broadcast_in_dim3A : f32 to vector<16xf32>
        %mul3A_65 = arith.constant 16 : i32
        %mul3A_66 = arith.muli %scan3A_62, %mul3A_65 : i32
        %swap3A = arith.index_cast %scan3A_52 : i32 to index
        %swap3A_67 = arith.index_cast %mul3A_66 : i32 to index
        %swap3A_68 = tpu.vector_load %arg10[%swap3A, %swap3A_67] {strides = array<i32>} : memref<128x128xf32, #tpu.memory_space<vmem>>, vector<1x16xf32>,
        %swap3A_69 = vector.shape_cast %swap3A_68 : vector<1x16xf32> to vector<16xf32>
        %swap3A_70 = vector.shape_cast %broadcast_in_dim3A_64 : vector<16xf32> to vector<1x16xf32>
        tpu.vector_store %arg10[%swap3A, %swap3A_67], %swap3A_70 {strides = array<i32>} : memref<128x128xf32, #tpu.memory_space<vmem>>, vector<1x16xf32>,
        %scan3A_71 = arith.constant 0 : i32
        scf.yield %scan3A_71 : i32
      }
      %scan3A_60 = arith.constant 8 : i32
      %scan3A_61 = arith.constant 0 : i32
      scf.yield %scan3A_61 : i32
    }
    %scan3A_10 = arith.constant 128 : i32
    %scan3A_11 = arith.constant 0 : i32
    %scan3A_12 = arith.constant 0 : i32
    %scan3A_13 = arith.constant 5 : i32
    %scan3A_14 = arith.addi %scan3A_12, %scan3A_13 : i32
    %scan3A_15 = arith.constant 1 : i32
    %scan3A_16 = scf.for %scan3A_52 = %scan3A_12 to %scan3A_14 step %scan3A_15 iter_args(%scan3A_53 = %scan3A_11) -> (i32)  : i32 {
      %mul3A_54 = arith.constant 640 : i32
      %mul3A_55 = arith.muli %arg1, %mul3A_54 : i32
      %mul3A_56 = arith.constant 128 : i32
      %mul3A_57 = arith.muli %scan3A_52, %mul3A_56 : i32
      %add3A_58 = arith.addi %mul3A_55, %mul3A_57 : i32
      "tpu.region"() ({
        %run_scoped3A = tpu.sem_alloc : memref<!tpu.dma_semaphore, #tpu.memory_space<semaphore_mem>>
        %dma_start3A_60 = arith.constant 0 : i32
        %dma_start3A_61 = tpu.memref_slice %arg16[%add3A_58, %dma_start3A_60] : memref<10240x128xf32, #tpu.memory_space<vmem_shared>> -> memref<128x128xf32, #tpu.memory_space<vmem_shared>>
        %dma_start3A_62 = arith.constant 0 : i32
        %dma_start3A_63 = tpu.memref_slice %arg16[%add3A_58, %dma_start3A_62] : memref<10240x128xf32, #tpu.memory_space<vmem_shared>> -> memref<128x128xf32, #tpu.memory_space<vmem_shared>>
        tpu.enqueue_dma source(%arg10 : memref<128x128xf32, #tpu.memory_space<vmem>>) target(%dma_start3A_63 : memref<128x128xf32, #tpu.memory_space<vmem_shared>>) target_semaphore(%run_scoped3A : memref<!tpu.dma_semaphore, #tpu.memory_space<semaphore_mem>>)
        %dma_wait3A = arith.constant 0 : i32
        %dma_wait3A_64 = tpu.memref_slice %arg16[%add3A_58, %dma_wait3A] : memref<10240x128xf32, #tpu.memory_space<vmem_shared>> -> memref<128x128xf32, #tpu.memory_space<vmem_shared>>
        %dma_wait3A_65 = arith.constant 0 : i32
        %dma_wait3A_66 = tpu.memref_slice %arg16[%add3A_58, %dma_wait3A_65] : memref<10240x128xf32, #tpu.memory_space<vmem_shared>> -> memref<128x128xf32, #tpu.memory_space<vmem_shared>>
        tpu.wait_dma2 semaphore(%run_scoped3A : memref<!tpu.dma_semaphore, #tpu.memory_space<semaphore_mem>>) src(%arg10 : memref<128x128xf32, #tpu.memory_space<vmem>>) dst(%dma_wait3A_66 : memref<128x128xf32, #tpu.memory_space<vmem_shared>>)
        tpu.yield
      }) : () -> ()
      %scan3A_59 = arith.constant 0 : i32
      scf.yield %scan3A_59 : i32
    }
    %scan3A_17 = arith.constant 5 : i32
    %barrier3A = arith.constant 0 : index
    tpu.barrier barrier_id(%barrier3A)
    "tpu.region"() ({
      %run_scoped3A = tpu.sem_alloc : memref<!tpu.dma_semaphore, #tpu.memory_space<semaphore_mem>>
      %dma_start3A_52 = tpu.memref_slice %arg3[%mul3A_4] : memref<320000xi32, #tpu.memory_space<hbm>> -> memref<9984xi32, #tpu.memory_space<hbm>>
      %dma_start3A_53 = tpu.memref_slice %arg3[%mul3A_4] : memref<320000xi32, #tpu.memory_space<hbm>> -> memref<9984xi32, #tpu.memory_space<hbm>>
      tpu.enqueue_dma source(%dma_start3A_53 : memref<9984xi32, #tpu.memory_space<hbm>>) target(%arg6 : memref<9984xi32, #tpu.memory_space<vmem>>) target_semaphore(%run_scoped3A : memref<!tpu.dma_semaphore, #tpu.memory_space<semaphore_mem>>)
      %dma_wait3A = tpu.memref_slice %arg3[%mul3A_4] : memref<320000xi32, #tpu.memory_space<hbm>> -> memref<9984xi32, #tpu.memory_space<hbm>>
      %dma_wait3A_54 = tpu.memref_slice %arg3[%mul3A_4] : memref<320000xi32, #tpu.memory_space<hbm>> -> memref<9984xi32, #tpu.memory_space<hbm>>
      tpu.wait_dma2 semaphore(%run_scoped3A : memref<!tpu.dma_semaphore, #tpu.memory_space<semaphore_mem>>) src(%dma_wait3A_54 : memref<9984xi32, #tpu.memory_space<hbm>>) dst(%arg6 : memref<9984xi32, #tpu.memory_space<vmem>>)
      tpu.yield
    }) : () -> ()
    %add3A_18 = arith.constant 0 : i32
    %add3A_19 = arith.addi %mul3A_4, %add3A_18 : i32
    %dma_start3A = tpu.memref_slice %arg4[%add3A_19] : memref<320000xi32, #tpu.memory_space<hbm>> -> memref<128xi32, #tpu.memory_space<hbm>>
    %dma_start3A_20 = tpu.memref_slice %arg4[%add3A_19] : memref<320000xi32, #tpu.memory_space<hbm>> -> memref<128xi32, #tpu.memory_space<hbm>>
    tpu.enqueue_dma source(%dma_start3A_20 : memref<128xi32, #tpu.memory_space<hbm>>) target(%arg8 : memref<128xi32, #tpu.memory_space<vmem>>) target_semaphore(%arg14 : memref<!tpu.dma_semaphore, #tpu.memory_space<semaphore_mem>>)
    %dma_start3A_21 = arith.constant 0 : i32
    %dma_start3A_22 = tpu.memref_slice %arg6[%dma_start3A_21] : memref<9984xi32, #tpu.memory_space<vmem>> -> memref<128xi32, #tpu.memory_space<vmem>>
    %dma_start3A_23 = arith.constant 0 : i32
    %dma_start3A_24 = arith.constant 0 : i32
    %dma_start3A_25 = tpu.memref_slice %arg2[%dma_start3A_23, %dma_start3A_24] : memref<10240x128xf32, #tpu.memory_space<hbm>> -> memref<10240x128xf32, #tpu.memory_space<hbm>>
    tpu.enqueue_indirect_dma source(%dma_start3A_25 : memref<10240x128xf32, #tpu.memory_space<hbm>>) target(%arg10 : memref<128x128xf32, #tpu.memory_space<vmem>>) offsets(%dma_start3A_22 : memref<128xi32, #tpu.memory_space<vmem>>) semaphore(%arg12 : memref<!tpu.dma_semaphore, #tpu.memory_space<semaphore_mem>>)
    %add3A_26 = arith.constant 128 : i32
    %add3A_27 = arith.addi %mul3A_4, %add3A_26 : i32
    %dma_start3A_28 = tpu.memref_slice %arg4[%add3A_27] : memref<320000xi32, #tpu.memory_space<hbm>> -> memref<128xi32, #tpu.memory_space<hbm>>
    %dma_start3A_29 = tpu.memref_slice %arg4[%add3A_27] : memref<320000xi32, #tpu.memory_space<hbm>> -> memref<128xi32, #tpu.memory_space<hbm>>
    tpu.enqueue_dma source(%dma_start3A_29 : memref<128xi32, #tpu.memory_space<hbm>>) target(%arg9 : memref<128xi32, #tpu.memory_space<vmem>>) target_semaphore(%arg15 : memref<!tpu.dma_semaphore, #tpu.memory_space<semaphore_mem>>)
    %dma_start3A_30 = arith.constant 128 : i32
    %dma_start3A_31 = tpu.memref_slice %arg6[%dma_start3A_30] : memref<9984xi32, #tpu.memory_space<vmem>> -> memref<128xi32, #tpu.memory_space<vmem>>
    %dma_start3A_32 = arith.constant 0 : i32
    %dma_start3A_33 = arith.constant 0 : i32
    %dma_start3A_34 = tpu.memref_slice %arg2[%dma_start3A_32, %dma_start3A_33] : memref<10240x128xf32, #tpu.memory_space<hbm>> -> memref<10240x128xf32, #tpu.memory_space<hbm>>
    tpu.enqueue_indirect_dma source(%dma_start3A_34 : memref<10240x128xf32, #tpu.memory_space<hbm>>) target(%arg11 : memref<128x128xf32, #tpu.memory_space<vmem>>) offsets(%dma_start3A_31 : memref<128xi32, #tpu.memory_space<vmem>>) semaphore(%arg13 : memref<!tpu.dma_semaphore, #tpu.memory_space<semaphore_mem>>)
    %scan3A_35 = arith.constant 0 : i32
    %scan3A_36 = arith.constant 0 : i32
    %scan3A_37 = arith.constant 39 : i32
    %scan3A_38 = arith.addi %scan3A_36, %scan3A_37 : i32
    %scan3A_39 = arith.constant 1 : i32
    %scan3A_40 = scf.for %scan3A_52 = %scan3A_36 to %scan3A_38 step %scan3A_39 iter_args(%scan3A_53 = %scan3A_35) -> (i32)  : i32 {
      %mul3A_54 = arith.constant 2 : i32
      %mul3A_55 = arith.muli %mul3A_54, %scan3A_52 : i32
      %add3A_56 = arith.constant 0 : i32
      %add3A_57 = arith.addi %mul3A_55, %add3A_56 : i32
      %mul3A_58 = arith.constant 128 : i32
      %mul3A_59 = arith.muli %add3A_57, %mul3A_58 : i32
      %dma_wait3A = tpu.memref_slice %arg6[%mul3A_59] : memref<9984xi32, #tpu.memory_space<vmem>> -> memref<128xi32, #tpu.memory_space<vmem>>
      %dma_wait3A_60 = arith.constant 0 : i32
      %dma_wait3A_61 = arith.constant 0 : i32
      %dma_wait3A_62 = tpu.memref_slice %arg2[%dma_wait3A_60, %dma_wait3A_61] : memref<10240x128xf32, #tpu.memory_space<hbm>> -> memref<10240x128xf32, #tpu.memory_space<hbm>>
      tpu.wait_indirect_dma semaphore(%arg12 : memref<!tpu.dma_semaphore, #tpu.memory_space<semaphore_mem>>) src(%dma_wait3A_62 : memref<10240x128xf32, #tpu.memory_space<hbm>>) dst(%arg10 : memref<128x128xf32, #tpu.memory_space<vmem>>)
      %dma_wait3A_63 = tpu.memref_slice %arg4[%mul3A_4] : memref<320000xi32, #tpu.memory_space<hbm>> -> memref<128xi32, #tpu.memory_space<hbm>>
      %dma_wait3A_64 = tpu.memref_slice %arg4[%mul3A_4] : memref<320000xi32, #tpu.memory_space<hbm>> -> memref<128xi32, #tpu.memory_space<hbm>>
      tpu.wait_dma2 semaphore(%arg14 : memref<!tpu.dma_semaphore, #tpu.memory_space<semaphore_mem>>) src(%dma_wait3A_64 : memref<128xi32, #tpu.memory_space<hbm>>) dst(%arg8 : memref<128xi32, #tpu.memory_space<vmem>>)
      "tpu.region"() ({
        %run_scoped3A = tpu.sem_alloc : memref<!tpu.dma_semaphore, #tpu.memory_space<semaphore_mem>>
        %dma_start3A_90 = arith.constant 0 : i32
        %dma_start3A_91 = arith.constant 0 : i32
        %dma_start3A_92 = tpu.memref_slice %arg16[%dma_start3A_90, %dma_start3A_91] : memref<10240x128xf32, #tpu.memory_space<vmem_shared>> -> memref<10240x128xf32, #tpu.memory_space<vmem_shared>>
        tpu.enqueue_indirect_dma source(%arg10 : memref<128x128xf32, #tpu.memory_space<vmem>>) target(%dma_start3A_92 : memref<10240x128xf32, #tpu.memory_space<vmem_shared>>) offsets(%arg8 : memref<128xi32, #tpu.memory_space<vmem>>) semaphore(%run_scoped3A : memref<!tpu.dma_semaphore, #tpu.memory_space<semaphore_mem>>) {add = true}
        %dma_wait3A_93 = arith.constant 0 : i32
        %dma_wait3A_94 = arith.constant 0 : i32
        %dma_wait3A_95 = tpu.memref_slice %arg16[%dma_wait3A_93, %dma_wait3A_94] : memref<10240x128xf32, #tpu.memory_space<vmem_shared>> -> memref<10240x128xf32, #tpu.memory_space<vmem_shared>>
        tpu.wait_indirect_dma semaphore(%run_scoped3A : memref<!tpu.dma_semaphore, #tpu.memory_space<semaphore_mem>>) src(%arg10 : memref<128x128xf32, #tpu.memory_space<vmem>>) dst(%dma_wait3A_95 : memref<10240x128xf32, #tpu.memory_space<vmem_shared>>)
        tpu.yield
      }) : () -> ()
      %add3A_65 = arith.constant 2 : i32
      %add3A_66 = arith.addi %add3A_57, %add3A_65 : i32
      %lt3A_67 = arith.constant 78 : i32
      %lt3A_68 = arith.cmpi slt, %add3A_66, %lt3A_67 : i32
      %convert_element_type3A_69 = arith.extui %lt3A_68 : i1 to i32
      %cond3A_70 = arith.constant 0 : i32
      %cond3A_71 = arith.cmpi ne, %convert_element_type3A_69, %cond3A_70 : i32
      scf.if %cond3A_71 {
        %add3A_90 = arith.constant 2 : i32
        %add3A_91 = arith.addi %add3A_57, %add3A_90 : i32
        %mul3A_92 = arith.constant 128 : i32
        %mul3A_93 = arith.muli %add3A_91, %mul3A_92 : i32
        %add3A_94 = arith.addi %mul3A_4, %mul3A_93 : i32
        %dma_start3A_95 = tpu.memref_slice %arg4[%add3A_94] : memref<320000xi32, #tpu.memory_space<hbm>> -> memref<128xi32, #tpu.memory_space<hbm>>
        %dma_start3A_96 = tpu.memref_slice %arg4[%add3A_94] : memref<320000xi32, #tpu.memory_space<hbm>> -> memref<128xi32, #tpu.memory_space<hbm>>
        tpu.enqueue_dma source(%dma_start3A_96 : memref<128xi32, #tpu.memory_space<hbm>>) target(%arg8 : memref<128xi32, #tpu.memory_space<vmem>>) target_semaphore(%arg14 : memref<!tpu.dma_semaphore, #tpu.memory_space<semaphore_mem>>)
        %add3A_97 = arith.constant 2 : i32
        %add3A_98 = arith.addi %add3A_57, %add3A_97 : i32
        %mul3A_99 = arith.constant 128 : i32
        %mul3A_100 = arith.muli %add3A_98, %mul3A_99 : i32
        %dma_start3A_101 = tpu.memref_slice %arg6[%mul3A_100] : memref<9984xi32, #tpu.memory_space<vmem>> -> memref<128xi32, #tpu.memory_space<vmem>>
        %dma_start3A_102 = arith.constant 0 : i32
        %dma_start3A_103 = arith.constant 0 : i32
        %dma_start3A_104 = tpu.memref_slice %arg2[%dma_start3A_102, %dma_start3A_103] : memref<10240x128xf32, #tpu.memory_space<hbm>> -> memref<10240x128xf32, #tpu.memory_space<hbm>>
        tpu.enqueue_indirect_dma source(%dma_start3A_104 : memref<10240x128xf32, #tpu.memory_space<hbm>>) target(%arg10 : memref<128x128xf32, #tpu.memory_space<vmem>>) offsets(%dma_start3A_101 : memref<128xi32, #tpu.memory_space<vmem>>) semaphore(%arg12 : memref<!tpu.dma_semaphore, #tpu.memory_space<semaphore_mem>>)
      } else {
      }
      %add3A_72 = arith.constant 1 : i32
      %add3A_73 = arith.addi %mul3A_55, %add3A_72 : i32
      %mul3A_74 = arith.constant 128 : i32
      %mul3A_75 = arith.muli %add3A_73, %mul3A_74 : i32
      %dma_wait3A_76 = tpu.memref_slice %arg6[%mul3A_75] : memref<9984xi32, #tpu.memory_space<vmem>> -> memref<128xi32, #tpu.memory_space<vmem>>
      %dma_wait3A_77 = arith.constant 0 : i32
      %dma_wait3A_78 = arith.constant 0 : i32
      %dma_wait3A_79 = tpu.memref_slice %arg2[%dma_wait3A_77, %dma_wait3A_78] : memref<10240x128xf32, #tpu.memory_space<hbm>> -> memref<10240x128xf32, #tpu.memory_space<hbm>>
      tpu.wait_indirect_dma semaphore(%arg13 : memref<!tpu.dma_semaphore, #tpu.memory_space<semaphore_mem>>) src(%dma_wait3A_79 : memref<10240x128xf32, #tpu.memory_space<hbm>>) dst(%arg11 : memref<128x128xf32, #tpu.memory_space<vmem>>)
      %dma_wait3A_80 = tpu.memref_slice %arg4[%mul3A_4] : memref<320000xi32, #tpu.memory_space<hbm>> -> memref<128xi32, #tpu.memory_space<hbm>>
      %dma_wait3A_81 = tpu.memref_slice %arg4[%mul3A_4] : memref<320000xi32, #tpu.memory_space<hbm>> -> memref<128xi32, #tpu.memory_space<hbm>>
      tpu.wait_dma2 semaphore(%arg15 : memref<!tpu.dma_semaphore, #tpu.memory_space<semaphore_mem>>) src(%dma_wait3A_81 : memref<128xi32, #tpu.memory_space<hbm>>) dst(%arg9 : memref<128xi32, #tpu.memory_space<vmem>>)
      "tpu.region"() ({
        %run_scoped3A = tpu.sem_alloc : memref<!tpu.dma_semaphore, #tpu.memory_space<semaphore_mem>>
        %dma_start3A_90 = arith.constant 0 : i32
        %dma_start3A_91 = arith.constant 0 : i32
        %dma_start3A_92 = tpu.memref_slice %arg16[%dma_start3A_90, %dma_start3A_91] : memref<10240x128xf32, #tpu.memory_space<vmem_shared>> -> memref<10240x128xf32, #tpu.memory_space<vmem_shared>>
        tpu.enqueue_indirect_dma source(%arg11 : memref<128x128xf32, #tpu.memory_space<vmem>>) target(%dma_start3A_92 : memref<10240x128xf32, #tpu.memory_space<vmem_shared>>) offsets(%arg9 : memref<128xi32, #tpu.memory_space<vmem>>) semaphore(%run_scoped3A : memref<!tpu.dma_semaphore, #tpu.memory_space<semaphore_mem>>) {add = true}
        %dma_wait3A_93 = arith.constant 0 : i32
        %dma_wait3A_94 = arith.constant 0 : i32
        %dma_wait3A_95 = tpu.memref_slice %arg16[%dma_wait3A_93, %dma_wait3A_94] : memref<10240x128xf32, #tpu.memory_space<vmem_shared>> -> memref<10240x128xf32, #tpu.memory_space<vmem_shared>>
        tpu.wait_indirect_dma semaphore(%run_scoped3A : memref<!tpu.dma_semaphore, #tpu.memory_space<semaphore_mem>>) src(%arg11 : memref<128x128xf32, #tpu.memory_space<vmem>>) dst(%dma_wait3A_95 : memref<10240x128xf32, #tpu.memory_space<vmem_shared>>)
        tpu.yield
      }) : () -> ()
      %add3A_82 = arith.constant 2 : i32
      %add3A_83 = arith.addi %add3A_73, %add3A_82 : i32
      %lt3A_84 = arith.constant 78 : i32
      %lt3A_85 = arith.cmpi slt, %add3A_83, %lt3A_84 : i32
      %convert_element_type3A_86 = arith.extui %lt3A_85 : i1 to i32
      %cond3A_87 = arith.constant 0 : i32
      %cond3A_88 = arith.cmpi ne, %convert_element_type3A_86, %cond3A_87 : i32
      scf.if %cond3A_88 {
        %add3A_90 = arith.constant 2 : i32
        %add3A_91 = arith.addi %add3A_73, %add3A_90 : i32
        %mul3A_92 = arith.constant 128 : i32
        %mul3A_93 = arith.muli %add3A_91, %mul3A_92 : i32
        %add3A_94 = arith.addi %mul3A_4, %mul3A_93 : i32
        %dma_start3A_95 = tpu.memref_slice %arg4[%add3A_94] : memref<320000xi32, #tpu.memory_space<hbm>> -> memref<128xi32, #tpu.memory_space<hbm>>
        %dma_start3A_96 = tpu.memref_slice %arg4[%add3A_94] : memref<320000xi32, #tpu.memory_space<hbm>> -> memref<128xi32, #tpu.memory_space<hbm>>
        tpu.enqueue_dma source(%dma_start3A_96 : memref<128xi32, #tpu.memory_space<hbm>>) target(%arg9 : memref<128xi32, #tpu.memory_space<vmem>>) target_semaphore(%arg15 : memref<!tpu.dma_semaphore, #tpu.memory_space<semaphore_mem>>)
        %add3A_97 = arith.constant 2 : i32
        %add3A_98 = arith.addi %add3A_73, %add3A_97 : i32
        %mul3A_99 = arith.constant 128 : i32
        %mul3A_100 = arith.muli %add3A_98, %mul3A_99 : i32
        %dma_start3A_101 = tpu.memref_slice %arg6[%mul3A_100] : memref<9984xi32, #tpu.memory_space<vmem>> -> memref<128xi32, #tpu.memory_space<vmem>>
        %dma_start3A_102 = arith.constant 0 : i32
        %dma_start3A_103 = arith.constant 0 : i32
        %dma_start3A_104 = tpu.memref_slice %arg2[%dma_start3A_102, %dma_start3A_103] : memref<10240x128xf32, #tpu.memory_space<hbm>> -> memref<10240x128xf32, #tpu.memory_space<hbm>>
        tpu.enqueue_indirect_dma source(%dma_start3A_104 : memref<10240x128xf32, #tpu.memory_space<hbm>>) target(%arg11 : memref<128x128xf32, #tpu.memory_space<vmem>>) offsets(%dma_start3A_101 : memref<128xi32, #tpu.memory_space<vmem>>) semaphore(%arg13 : memref<!tpu.dma_semaphore, #tpu.memory_space<semaphore_mem>>)
      } else {
      }
      %scan3A_89 = arith.constant 0 : i32
      scf.yield %scan3A_89 : i32
    }
    %scan3A_41 = arith.constant 39 : i32
    %lt3A = arith.constant 4 : i32
    %lt3A_42 = arith.cmpi slt, %add3A, %lt3A : i32
    %convert_element_type3A = arith.extui %lt3A_42 : i1 to i32
    %cond3A = arith.constant 0 : i32
    %cond3A_43 = arith.cmpi ne, %convert_element_type3A, %cond3A : i32
    scf.if %cond3A_43 {
      %add3A_52 = arith.constant 2496 : i32
      %add3A_53 = arith.addi %add3A_52, %add3A : i32
      %mul3A_54 = arith.constant 128 : i32
      %mul3A_55 = arith.muli %add3A_53, %mul3A_54 : i32
      "tpu.region"() ({
        %run_scoped3A = tpu.sem_alloc : memref<!tpu.dma_semaphore, #tpu.memory_space<semaphore_mem>>
        %dma_start3A_61 = tpu.memref_slice %arg3[%mul3A_55] : memref<320000xi32, #tpu.memory_space<hbm>> -> memref<128xi32, #tpu.memory_space<hbm>>
        %dma_start3A_62 = tpu.memref_slice %arg3[%mul3A_55] : memref<320000xi32, #tpu.memory_space<hbm>> -> memref<128xi32, #tpu.memory_space<hbm>>
        tpu.enqueue_dma source(%dma_start3A_62 : memref<128xi32, #tpu.memory_space<hbm>>) target(%arg7 : memref<128xi32, #tpu.memory_space<vmem>>) target_semaphore(%run_scoped3A : memref<!tpu.dma_semaphore, #tpu.memory_space<semaphore_mem>>)
        %dma_wait3A_63 = tpu.memref_slice %arg3[%mul3A_55] : memref<320000xi32, #tpu.memory_space<hbm>> -> memref<128xi32, #tpu.memory_space<hbm>>
        %dma_wait3A_64 = tpu.memref_slice %arg3[%mul3A_55] : memref<320000xi32, #tpu.memory_space<hbm>> -> memref<128xi32, #tpu.memory_space<hbm>>
        tpu.wait_dma2 semaphore(%run_scoped3A : memref<!tpu.dma_semaphore, #tpu.memory_space<semaphore_mem>>) src(%dma_wait3A_64 : memref<128xi32, #tpu.memory_space<hbm>>) dst(%arg7 : memref<128xi32, #tpu.memory_space<vmem>>)
        tpu.yield
      }) : () -> ()
      "tpu.region"() ({
        %run_scoped3A = tpu.sem_alloc : memref<!tpu.dma_semaphore, #tpu.memory_space<semaphore_mem>>
        %dma_start3A_61 = tpu.memref_slice %arg4[%mul3A_55] : memref<320000xi32, #tpu.memory_space<hbm>> -> memref<128xi32, #tpu.memory_space<hbm>>
        %dma_start3A_62 = tpu.memref_slice %arg4[%mul3A_55] : memref<320000xi32, #tpu.memory_space<hbm>> -> memref<128xi32, #tpu.memory_space<hbm>>
        tpu.enqueue_dma source(%dma_start3A_62 : memref<128xi32, #tpu.memory_space<hbm>>) target(%arg8 : memref<128xi32, #tpu.memory_space<vmem>>) target_semaphore(%run_scoped3A : memref<!tpu.dma_semaphore, #tpu.memory_space<semaphore_mem>>)
        %dma_wait3A_63 = tpu.memref_slice %arg4[%mul3A_55] : memref<320000xi32, #tpu.memory_space<hbm>> -> memref<128xi32, #tpu.memory_space<hbm>>
        %dma_wait3A_64 = tpu.memref_slice %arg4[%mul3A_55] : memref<320000xi32, #tpu.memory_space<hbm>> -> memref<128xi32, #tpu.memory_space<hbm>>
        tpu.wait_dma2 semaphore(%run_scoped3A : memref<!tpu.dma_semaphore, #tpu.memory_space<semaphore_mem>>) src(%dma_wait3A_64 : memref<128xi32, #tpu.memory_space<hbm>>) dst(%arg8 : memref<128xi32, #tpu.memory_space<vmem>>)
        tpu.yield
      }) : () -> ()
      %dma_start3A_56 = arith.constant 0 : i32
      %dma_start3A_57 = arith.constant 0 : i32
      %dma_start3A_58 = tpu.memref_slice %arg2[%dma_start3A_56, %dma_start3A_57] : memref<10240x128xf32, #tpu.memory_space<hbm>> -> memref<10240x128xf32, #tpu.memory_space<hbm>>
      tpu.enqueue_indirect_dma source(%dma_start3A_58 : memref<10240x128xf32, #tpu.memory_space<hbm>>) target(%arg10 : memref<128x128xf32, #tpu.memory_space<vmem>>) offsets(%arg7 : memref<128xi32, #tpu.memory_space<vmem>>) semaphore(%arg12 : memref<!tpu.dma_semaphore, #tpu.memory_space<semaphore_mem>>)
      %dma_wait3A = arith.constant 0 : i32
      %dma_wait3A_59 = arith.constant 0 : i32
      %dma_wait3A_60 = tpu.memref_slice %arg2[%dma_wait3A, %dma_wait3A_59] : memref<10240x128xf32, #tpu.memory_space<hbm>> -> memref<10240x128xf32, #tpu.memory_space<hbm>>
      tpu.wait_indirect_dma semaphore(%arg12 : memref<!tpu.dma_semaphore, #tpu.memory_space<semaphore_mem>>) src(%dma_wait3A_60 : memref<10240x128xf32, #tpu.memory_space<hbm>>) dst(%arg10 : memref<128x128xf32, #tpu.memory_space<vmem>>)
      "tpu.region"() ({
        %run_scoped3A = tpu.sem_alloc : memref<!tpu.dma_semaphore, #tpu.memory_space<semaphore_mem>>
        %dma_start3A_61 = arith.constant 0 : i32
        %dma_start3A_62 = arith.constant 0 : i32
        %dma_start3A_63 = tpu.memref_slice %arg16[%dma_start3A_61, %dma_start3A_62] : memref<10240x128xf32, #tpu.memory_space<vmem_shared>> -> memref<10240x128xf32, #tpu.memory_space<vmem_shared>>
        tpu.enqueue_indirect_dma source(%arg10 : memref<128x128xf32, #tpu.memory_space<vmem>>) target(%dma_start3A_63 : memref<10240x128xf32, #tpu.memory_space<vmem_shared>>) offsets(%arg8 : memref<128xi32, #tpu.memory_space<vmem>>) semaphore(%run_scoped3A : memref<!tpu.dma_semaphore, #tpu.memory_space<semaphore_mem>>) {add = true}
        %dma_wait3A_64 = arith.constant 0 : i32
        %dma_wait3A_65 = arith.constant 0 : i32
        %dma_wait3A_66 = tpu.memref_slice %arg16[%dma_wait3A_64, %dma_wait3A_65] : memref<10240x128xf32, #tpu.memory_space<vmem_shared>> -> memref<10240x128xf32, #tpu.memory_space<vmem_shared>>
        tpu.wait_indirect_dma semaphore(%run_scoped3A : memref<!tpu.dma_semaphore, #tpu.memory_space<semaphore_mem>>) src(%arg10 : memref<128x128xf32, #tpu.memory_space<vmem>>) dst(%dma_wait3A_66 : memref<10240x128xf32, #tpu.memory_space<vmem_shared>>)
        tpu.yield
      }) : () -> ()
    } else {
    }
    %barrier3A_44 = arith.constant 0 : index
    tpu.barrier barrier_id(%barrier3A_44)
    %scan3A_45 = arith.constant 0 : i32
    %scan3A_46 = arith.constant 0 : i32
    %scan3A_47 = arith.constant 5 : i32
    %scan3A_48 = arith.addi %scan3A_46, %scan3A_47 : i32
    %scan3A_49 = arith.constant 1 : i32
    %scan3A_50 = scf.for %scan3A_52 = %scan3A_46 to %scan3A_48 step %scan3A_49 iter_args(%scan3A_53 = %scan3A_45) -> (i32)  : i32 {
      %mul3A_54 = arith.constant 640 : i32
      %mul3A_55 = arith.muli %arg1, %mul3A_54 : i32
      %mul3A_56 = arith.constant 128 : i32
      %mul3A_57 = arith.muli %scan3A_52, %mul3A_56 : i32
      %add3A_58 = arith.addi %mul3A_55, %mul3A_57 : i32
      "tpu.region"() ({
        %run_scoped3A = tpu.sem_alloc : memref<!tpu.dma_semaphore, #tpu.memory_space<semaphore_mem>>
        %dma_start3A_60 = arith.constant 0 : i32
        %dma_start3A_61 = tpu.memref_slice %arg16[%add3A_58, %dma_start3A_60] : memref<10240x128xf32, #tpu.memory_space<vmem_shared>> -> memref<128x128xf32, #tpu.memory_space<vmem_shared>>
        %dma_start3A_62 = arith.constant 0 : i32
        %dma_start3A_63 = tpu.memref_slice %arg16[%add3A_58, %dma_start3A_62] : memref<10240x128xf32, #tpu.memory_space<vmem_shared>> -> memref<128x128xf32, #tpu.memory_space<vmem_shared>>
        tpu.enqueue_dma source(%dma_start3A_63 : memref<128x128xf32, #tpu.memory_space<vmem_shared>>) target(%arg10 : memref<128x128xf32, #tpu.memory_space<vmem>>) target_semaphore(%run_scoped3A : memref<!tpu.dma_semaphore, #tpu.memory_space<semaphore_mem>>)
        %dma_wait3A = arith.constant 0 : i32
        %dma_wait3A_64 = tpu.memref_slice %arg16[%add3A_58, %dma_wait3A] : memref<10240x128xf32, #tpu.memory_space<vmem_shared>> -> memref<128x128xf32, #tpu.memory_space<vmem_shared>>
        %dma_wait3A_65 = arith.constant 0 : i32
        %dma_wait3A_66 = tpu.memref_slice %arg16[%add3A_58, %dma_wait3A_65] : memref<10240x128xf32, #tpu.memory_space<vmem_shared>> -> memref<128x128xf32, #tpu.memory_space<vmem_shared>>
        tpu.wait_dma2 semaphore(%run_scoped3A : memref<!tpu.dma_semaphore, #tpu.memory_space<semaphore_mem>>) src(%dma_wait3A_66 : memref<128x128xf32, #tpu.memory_space<vmem_shared>>) dst(%arg10 : memref<128x128xf32, #tpu.memory_space<vmem>>)
        tpu.yield
      }) : () -> ()
      "tpu.region"() ({
        %run_scoped3A = tpu.sem_alloc : memref<!tpu.dma_semaphore, #tpu.memory_space<semaphore_mem>>
        %dma_start3A_60 = arith.constant 0 : i32
        %dma_start3A_61 = tpu.memref_slice %arg5[%arg0, %add3A_58, %dma_start3A_60] : memref<2x10240x128xf32, #tpu.memory_space<hbm>> -> memref<1x128x128xf32, #tpu.memory_space<hbm>>
        %dma_start3A_62 = tpu.memref_squeeze %dma_start3A_61 : memref<1x128x128xf32, #tpu.memory_space<hbm>> -> memref<128x128xf32, #tpu.memory_space<hbm>>
        %dma_start3A_63 = arith.constant 0 : i32
        %dma_start3A_64 = tpu.memref_slice %arg5[%arg0, %add3A_58, %dma_start3A_63] : memref<2x10240x128xf32, #tpu.memory_space<hbm>> -> memref<1x128x128xf32, #tpu.memory_space<hbm>>
        %dma_start3A_65 = tpu.memref_squeeze %dma_start3A_64 : memref<1x128x128xf32, #tpu.memory_space<hbm>> -> memref<128x128xf32, #tpu.memory_space<hbm>>
        tpu.enqueue_dma source(%arg10 : memref<128x128xf32, #tpu.memory_space<vmem>>) target(%dma_start3A_65 : memref<128x128xf32, #tpu.memory_space<hbm>>) target_semaphore(%run_scoped3A : memref<!tpu.dma_semaphore, #tpu.memory_space<semaphore_mem>>)
        %dma_wait3A = arith.constant 0 : i32
        %dma_wait3A_66 = tpu.memref_slice %arg5[%arg0, %add3A_58, %dma_wait3A] : memref<2x10240x128xf32, #tpu.memory_space<hbm>> -> memref<1x128x128xf32, #tpu.memory_space<hbm>>
        %dma_wait3A_67 = tpu.memref_squeeze %dma_wait3A_66 : memref<1x128x128xf32, #tpu.memory_space<hbm>> -> memref<128x128xf32, #tpu.memory_space<hbm>>
        %dma_wait3A_68 = arith.constant 0 : i32
        %dma_wait3A_69 = tpu.memref_slice %arg5[%arg0, %add3A_58, %dma_wait3A_68] : memref<2x10240x128xf32, #tpu.memory_space<hbm>> -> memref<1x128x128xf32, #tpu.memory_space<hbm>>
        %dma_wait3A_70 = tpu.memref_squeeze %dma_wait3A_69 : memref<1x128x128xf32, #tpu.memory_space<hbm>> -> memref<128x128xf32, #tpu.memory_space<hbm>>
        tpu.wait_dma2 semaphore(%run_scoped3A : memref<!tpu.dma_semaphore, #tpu.memory_space<semaphore_mem>>) src(%arg10 : memref<128x128xf32, #tpu.memory_space<vmem>>) dst(%dma_wait3A_70 : memref<128x128xf32, #tpu.memory_space<hbm>>)
        tpu.yield
      }) : () -> ()
      %scan3A_59 = arith.constant 0 : i32
      scf.yield %scan3A_59 : i32
    }
    %scan3A_51 = arith.constant 5 : i32
    return
  }
}

#map = affine_map<(d0, d1) -> (0)>
#map1 = affine_map<(d0, d1) -> (0, 0)>
module attributes {stable_mosaic.version = 14 : i64} {
  func.func @deg(%arg0: i32, %arg1: i32, %arg2: memref<320000xi32, #tpu.memory_space<hbm>>, %arg3: memref<2x10240xf32, #tpu.memory_space<hbm>>, %arg4: memref<78x128xi32, #tpu.memory_space<vmem>>, %arg5: memref<128xi32, #tpu.memory_space<vmem>>, %arg6: memref<128xf32, #tpu.memory_space<vmem>>, %arg7: memref<640xf32, #tpu.memory_space<vmem>>, %arg8: memref<!tpu.dma_semaphore, #tpu.memory_space<semaphore_mem>>, %arg9: memref<!tpu.dma_semaphore, #tpu.memory_space<semaphore_mem>>, %arg10: memref<10240xf32, #tpu.memory_space<vmem_shared>>) attributes {dimension_semantics = [#tpu.dimension_semantics<core_parallel>, #tpu.dimension_semantics<subcore_parallel>], iteration_bounds = array<i64: 2, 16>, scalar_prefetch = 0 : i64, scratch_operands = 7 : i64, tpu.core_type = #tpu.core_type<sc_vector_subcore>, window_params = [{transform_indices = #map}, {transform_indices = #map1}]} {
    %mul3A = arith.constant 16 : i32
    %mul3A_0 = arith.muli %arg0, %mul3A : i32
    %add3A = arith.addi %mul3A_0, %arg1 : i32
    %mul3A_1 = arith.constant 78 : i32
    %mul3A_2 = arith.muli %add3A, %mul3A_1 : i32
    %mul3A_3 = arith.constant 128 : i32
    %mul3A_4 = arith.muli %mul3A_2, %mul3A_3 : i32
    %scan3A = arith.constant 0 : i32
    %scan3A_5 = arith.constant 0 : i32
    %scan3A_6 = arith.constant 78 : i32
    %scan3A_7 = arith.addi %scan3A_5, %scan3A_6 : i32
    %scan3A_8 = arith.constant 1 : i32
    %scan3A_9 = scf.for %scan3A_55 = %scan3A_5 to %scan3A_7 step %scan3A_8 iter_args(%scan3A_56 = %scan3A) -> (i32)  : i32 {
      %mul3A_57 = arith.constant 128 : i32
      %mul3A_58 = arith.muli %scan3A_55, %mul3A_57 : i32
      %add3A_59 = arith.addi %mul3A_4, %mul3A_58 : i32
      %dma_start3A = arith.constant 0 : i32
      %dma_start3A_60 = tpu.memref_slice %arg4[%scan3A_55, %dma_start3A] : memref<78x128xi32, #tpu.memory_space<vmem>> -> memref<1x128xi32, #tpu.memory_space<vmem>>
      %dma_start3A_61 = tpu.memref_squeeze %dma_start3A_60 : memref<1x128xi32, #tpu.memory_space<vmem>> -> memref<128xi32, #tpu.memory_space<vmem>>
      %dma_start3A_62 = tpu.memref_slice %arg2[%add3A_59] : memref<320000xi32, #tpu.memory_space<hbm>> -> memref<128xi32, #tpu.memory_space<hbm>>
      %dma_start3A_63 = arith.constant 0 : i32
      %dma_start3A_64 = tpu.memref_slice %arg4[%scan3A_55, %dma_start3A_63] : memref<78x128xi32, #tpu.memory_space<vmem>> -> memref<1x128xi32, #tpu.memory_space<vmem>>
      %dma_start3A_65 = tpu.memref_squeeze %dma_start3A_64 : memref<1x128xi32, #tpu.memory_space<vmem>> -> memref<128xi32, #tpu.memory_space<vmem>>
      %dma_start3A_66 = tpu.memref_slice %arg2[%add3A_59] : memref<320000xi32, #tpu.memory_space<hbm>> -> memref<128xi32, #tpu.memory_space<hbm>>
      tpu.enqueue_dma source(%dma_start3A_66 : memref<128xi32, #tpu.memory_space<hbm>>) target(%dma_start3A_65 : memref<128xi32, #tpu.memory_space<vmem>>) target_semaphore(%arg8 : memref<!tpu.dma_semaphore, #tpu.memory_space<semaphore_mem>>)
      %scan3A_67 = arith.constant 0 : i32
      scf.yield %scan3A_67 : i32
    }
    %scan3A_10 = arith.constant 78 : i32
    %scan3A_11 = arith.constant 0 : i32
    %scan3A_12 = arith.constant 0 : i32
    %scan3A_13 = arith.constant 8 : i32
    %scan3A_14 = arith.addi %scan3A_12, %scan3A_13 : i32
    %scan3A_15 = arith.constant 1 : i32
    %scan3A_16 = scf.for %scan3A_55 = %scan3A_12 to %scan3A_14 step %scan3A_15 iter_args(%scan3A_56 = %scan3A_11) -> (i32)  : i32 {
      %broadcast_in_dim3A = arith.constant 1.000000e+00 : f32
      %broadcast_in_dim3A_57 = vector.broadcast %broadcast_in_dim3A : f32 to vector<16xf32>
      %mul3A_58 = arith.constant 16 : i32
      %mul3A_59 = arith.muli %scan3A_55, %mul3A_58 : i32
      %swap3A = arith.index_cast %mul3A_59 : i32 to index
      %swap3A_60 = tpu.vector_load %arg6[%swap3A] {strides = array<i32>} : memref<128xf32, #tpu.memory_space<vmem>>, vector<16xf32>,
      %swap3A_61 = vector.shape_cast %swap3A_60 : vector<16xf32> to vector<16xf32>
      %swap3A_62 = vector.shape_cast %broadcast_in_dim3A_57 : vector<16xf32> to vector<16xf32>
      tpu.vector_store %arg6[%swap3A], %swap3A_62 {strides = array<i32>} : memref<128xf32, #tpu.memory_space<vmem>>, vector<16xf32>,
      %scan3A_63 = arith.constant 0 : i32
      scf.yield %scan3A_63 : i32
    }
    %scan3A_17 = arith.constant 8 : i32
    %scan3A_18 = arith.constant 0 : i32
    %scan3A_19 = arith.constant 0 : i32
    %scan3A_20 = arith.constant 40 : i32
    %scan3A_21 = arith.addi %scan3A_19, %scan3A_20 : i32
    %scan3A_22 = arith.constant 1 : i32
    %scan3A_23 = scf.for %scan3A_55 = %scan3A_19 to %scan3A_21 step %scan3A_22 iter_args(%scan3A_56 = %scan3A_18) -> (i32)  : i32 {
      %broadcast_in_dim3A = arith.constant 0.000000e+00 : f32
      %broadcast_in_dim3A_57 = vector.broadcast %broadcast_in_dim3A : f32 to vector<16xf32>
      %mul3A_58 = arith.constant 16 : i32
      %mul3A_59 = arith.muli %scan3A_55, %mul3A_58 : i32
      %swap3A = arith.index_cast %mul3A_59 : i32 to index
      %swap3A_60 = tpu.vector_load %arg7[%swap3A] {strides = array<i32>} : memref<640xf32, #tpu.memory_space<vmem>>, vector<16xf32>,
      %swap3A_61 = vector.shape_cast %swap3A_60 : vector<16xf32> to vector<16xf32>
      %swap3A_62 = vector.shape_cast %broadcast_in_dim3A_57 : vector<16xf32> to vector<16xf32>
      tpu.vector_store %arg7[%swap3A], %swap3A_62 {strides = array<i32>} : memref<640xf32, #tpu.memory_space<vmem>>, vector<16xf32>,
      %scan3A_63 = arith.constant 0 : i32
      scf.yield %scan3A_63 : i32
    }
    %scan3A_24 = arith.constant 40 : i32
    %mul3A_25 = arith.constant 640 : i32
    %mul3A_26 = arith.muli %arg1, %mul3A_25 : i32
    "tpu.region"() ({
      %run_scoped3A = tpu.sem_alloc : memref<!tpu.dma_semaphore, #tpu.memory_space<semaphore_mem>>
      %dma_start3A = tpu.memref_slice %arg10[%mul3A_26] : memref<10240xf32, #tpu.memory_space<vmem_shared>> -> memref<640xf32, #tpu.memory_space<vmem_shared>>
      %dma_start3A_55 = tpu.memref_slice %arg10[%mul3A_26] : memref<10240xf32, #tpu.memory_space<vmem_shared>> -> memref<640xf32, #tpu.memory_space<vmem_shared>>
      tpu.enqueue_dma source(%arg7 : memref<640xf32, #tpu.memory_space<vmem>>) target(%dma_start3A_55 : memref<640xf32, #tpu.memory_space<vmem_shared>>) target_semaphore(%run_scoped3A : memref<!tpu.dma_semaphore, #tpu.memory_space<semaphore_mem>>)
      %dma_wait3A = tpu.memref_slice %arg10[%mul3A_26] : memref<10240xf32, #tpu.memory_space<vmem_shared>> -> memref<640xf32, #tpu.memory_space<vmem_shared>>
      %dma_wait3A_56 = tpu.memref_slice %arg10[%mul3A_26] : memref<10240xf32, #tpu.memory_space<vmem_shared>> -> memref<640xf32, #tpu.memory_space<vmem_shared>>
      tpu.wait_dma2 semaphore(%run_scoped3A : memref<!tpu.dma_semaphore, #tpu.memory_space<semaphore_mem>>) src(%arg7 : memref<640xf32, #tpu.memory_space<vmem>>) dst(%dma_wait3A_56 : memref<640xf32, #tpu.memory_space<vmem_shared>>)
      tpu.yield
    }) : () -> ()
    %scan3A_27 = arith.constant 0 : i32
    %scan3A_28 = arith.constant 0 : i32
    %scan3A_29 = arith.constant 78 : i32
    %scan3A_30 = arith.addi %scan3A_28, %scan3A_29 : i32
    %scan3A_31 = arith.constant 1 : i32
    %scan3A_32 = scf.for %scan3A_55 = %scan3A_28 to %scan3A_30 step %scan3A_31 iter_args(%scan3A_56 = %scan3A_27) -> (i32)  : i32 {
      %dma_wait3A = arith.constant 0 : i32
      %dma_wait3A_57 = tpu.memref_slice %arg4[%scan3A_55, %dma_wait3A] : memref<78x128xi32, #tpu.memory_space<vmem>> -> memref<1x128xi32, #tpu.memory_space<vmem>>
      %dma_wait3A_58 = tpu.memref_squeeze %dma_wait3A_57 : memref<1x128xi32, #tpu.memory_space<vmem>> -> memref<128xi32, #tpu.memory_space<vmem>>
      %dma_wait3A_59 = tpu.memref_slice %arg2[%mul3A_4] : memref<320000xi32, #tpu.memory_space<hbm>> -> memref<128xi32, #tpu.memory_space<hbm>>
      %dma_wait3A_60 = arith.constant 0 : i32
      %dma_wait3A_61 = tpu.memref_slice %arg4[%scan3A_55, %dma_wait3A_60] : memref<78x128xi32, #tpu.memory_space<vmem>> -> memref<1x128xi32, #tpu.memory_space<vmem>>
      %dma_wait3A_62 = tpu.memref_squeeze %dma_wait3A_61 : memref<1x128xi32, #tpu.memory_space<vmem>> -> memref<128xi32, #tpu.memory_space<vmem>>
      %dma_wait3A_63 = tpu.memref_slice %arg2[%mul3A_4] : memref<320000xi32, #tpu.memory_space<hbm>> -> memref<128xi32, #tpu.memory_space<hbm>>
      tpu.wait_dma2 semaphore(%arg8 : memref<!tpu.dma_semaphore, #tpu.memory_space<semaphore_mem>>) src(%dma_wait3A_63 : memref<128xi32, #tpu.memory_space<hbm>>) dst(%dma_wait3A_62 : memref<128xi32, #tpu.memory_space<vmem>>)
      %scan3A_64 = arith.constant 0 : i32
      scf.yield %scan3A_64 : i32
    }
    %scan3A_33 = arith.constant 78 : i32
    %barrier3A = arith.constant 0 : index
    tpu.barrier barrier_id(%barrier3A)
    %scan3A_34 = arith.constant 0 : i32
    %scan3A_35 = arith.constant 0 : i32
    %scan3A_36 = arith.constant 78 : i32
    %scan3A_37 = arith.addi %scan3A_35, %scan3A_36 : i32
    %scan3A_38 = arith.constant 1 : i32
    %scan3A_39 = scf.for %scan3A_55 = %scan3A_35 to %scan3A_37 step %scan3A_38 iter_args(%scan3A_56 = %scan3A_34) -> (i32)  : i32 {
      %dma_start3A = arith.constant 0 : i32
      %dma_start3A_57 = tpu.memref_slice %arg4[%scan3A_55, %dma_start3A] : memref<78x128xi32, #tpu.memory_space<vmem>> -> memref<1x128xi32, #tpu.memory_space<vmem>>
      %dma_start3A_58 = tpu.memref_squeeze %dma_start3A_57 : memref<1x128xi32, #tpu.memory_space<vmem>> -> memref<128xi32, #tpu.memory_space<vmem>>
      %dma_start3A_59 = arith.constant 0 : i32
      %dma_start3A_60 = tpu.memref_slice %arg10[%dma_start3A_59] : memref<10240xf32, #tpu.memory_space<vmem_shared>> -> memref<10240xf32, #tpu.memory_space<vmem_shared>>
      tpu.enqueue_indirect_dma source(%arg6 : memref<128xf32, #tpu.memory_space<vmem>>) target(%dma_start3A_60 : memref<10240xf32, #tpu.memory_space<vmem_shared>>) offsets(%dma_start3A_58 : memref<128xi32, #tpu.memory_space<vmem>>) semaphore(%arg9 : memref<!tpu.dma_semaphore, #tpu.memory_space<semaphore_mem>>) {add = true}
      %scan3A_61 = arith.constant 0 : i32
      scf.yield %scan3A_61 : i32
    }
    %scan3A_40 = arith.constant 78 : i32
    %lt3A = arith.constant 4 : i32
    %lt3A_41 = arith.cmpi slt, %add3A, %lt3A : i32
    %convert_element_type3A = arith.extui %lt3A_41 : i1 to i32
    %cond3A = arith.constant 0 : i32
    %cond3A_42 = arith.cmpi ne, %convert_element_type3A, %cond3A : i32
    scf.if %cond3A_42 {
      %add3A_55 = arith.constant 2496 : i32
      %add3A_56 = arith.addi %add3A_55, %add3A : i32
      %mul3A_57 = arith.constant 128 : i32
      %mul3A_58 = arith.muli %add3A_56, %mul3A_57 : i32
      "tpu.region"() ({
        %run_scoped3A = tpu.sem_alloc : memref<!tpu.dma_semaphore, #tpu.memory_space<semaphore_mem>>
        %dma_start3A = tpu.memref_slice %arg2[%mul3A_58] : memref<320000xi32, #tpu.memory_space<hbm>> -> memref<128xi32, #tpu.memory_space<hbm>>
        %dma_start3A_59 = tpu.memref_slice %arg2[%mul3A_58] : memref<320000xi32, #tpu.memory_space<hbm>> -> memref<128xi32, #tpu.memory_space<hbm>>
        tpu.enqueue_dma source(%dma_start3A_59 : memref<128xi32, #tpu.memory_space<hbm>>) target(%arg5 : memref<128xi32, #tpu.memory_space<vmem>>) target_semaphore(%run_scoped3A : memref<!tpu.dma_semaphore, #tpu.memory_space<semaphore_mem>>)
        %dma_wait3A = tpu.memref_slice %arg2[%mul3A_58] : memref<320000xi32, #tpu.memory_space<hbm>> -> memref<128xi32, #tpu.memory_space<hbm>>
        %dma_wait3A_60 = tpu.memref_slice %arg2[%mul3A_58] : memref<320000xi32, #tpu.memory_space<hbm>> -> memref<128xi32, #tpu.memory_space<hbm>>
        tpu.wait_dma2 semaphore(%run_scoped3A : memref<!tpu.dma_semaphore, #tpu.memory_space<semaphore_mem>>) src(%dma_wait3A_60 : memref<128xi32, #tpu.memory_space<hbm>>) dst(%arg5 : memref<128xi32, #tpu.memory_space<vmem>>)
        tpu.yield
      }) : () -> ()
      "tpu.region"() ({
        %run_scoped3A = tpu.sem_alloc : memref<!tpu.dma_semaphore, #tpu.memory_space<semaphore_mem>>
        %dma_start3A = arith.constant 0 : i32
        %dma_start3A_59 = tpu.memref_slice %arg10[%dma_start3A] : memref<10240xf32, #tpu.memory_space<vmem_shared>> -> memref<10240xf32, #tpu.memory_space<vmem_shared>>
        tpu.enqueue_indirect_dma source(%arg6 : memref<128xf32, #tpu.memory_space<vmem>>) target(%dma_start3A_59 : memref<10240xf32, #tpu.memory_space<vmem_shared>>) offsets(%arg5 : memref<128xi32, #tpu.memory_space<vmem>>) semaphore(%run_scoped3A : memref<!tpu.dma_semaphore, #tpu.memory_space<semaphore_mem>>) {add = true}
        %dma_wait3A = arith.constant 0 : i32
        %dma_wait3A_60 = tpu.memref_slice %arg10[%dma_wait3A] : memref<10240xf32, #tpu.memory_space<vmem_shared>> -> memref<10240xf32, #tpu.memory_space<vmem_shared>>
        tpu.wait_indirect_dma semaphore(%run_scoped3A : memref<!tpu.dma_semaphore, #tpu.memory_space<semaphore_mem>>) src(%arg6 : memref<128xf32, #tpu.memory_space<vmem>>) dst(%dma_wait3A_60 : memref<10240xf32, #tpu.memory_space<vmem_shared>>)
        tpu.yield
      }) : () -> ()
    } else {
    }
    %scan3A_43 = arith.constant 0 : i32
    %scan3A_44 = arith.constant 0 : i32
    %scan3A_45 = arith.constant 78 : i32
    %scan3A_46 = arith.addi %scan3A_44, %scan3A_45 : i32
    %scan3A_47 = arith.constant 1 : i32
    %scan3A_48 = scf.for %scan3A_55 = %scan3A_44 to %scan3A_46 step %scan3A_47 iter_args(%scan3A_56 = %scan3A_43) -> (i32)  : i32 {
      %dma_wait3A = arith.constant 0 : i32
      %dma_wait3A_57 = tpu.memref_slice %arg4[%scan3A_55, %dma_wait3A] : memref<78x128xi32, #tpu.memory_space<vmem>> -> memref<1x128xi32, #tpu.memory_space<vmem>>
      %dma_wait3A_58 = tpu.memref_squeeze %dma_wait3A_57 : memref<1x128xi32, #tpu.memory_space<vmem>> -> memref<128xi32, #tpu.memory_space<vmem>>
      %dma_wait3A_59 = arith.constant 0 : i32
      %dma_wait3A_60 = tpu.memref_slice %arg10[%dma_wait3A_59] : memref<10240xf32, #tpu.memory_space<vmem_shared>> -> memref<10240xf32, #tpu.memory_space<vmem_shared>>
      tpu.wait_indirect_dma semaphore(%arg9 : memref<!tpu.dma_semaphore, #tpu.memory_space<semaphore_mem>>) src(%arg6 : memref<128xf32, #tpu.memory_space<vmem>>) dst(%dma_wait3A_60 : memref<10240xf32, #tpu.memory_space<vmem_shared>>)
      %scan3A_61 = arith.constant 0 : i32
      scf.yield %scan3A_61 : i32
    }
    %scan3A_49 = arith.constant 78 : i32
    %barrier3A_50 = arith.constant 0 : index
    tpu.barrier barrier_id(%barrier3A_50)
    %mul3A_51 = arith.constant 640 : i32
    %mul3A_52 = arith.muli %arg1, %mul3A_51 : i32
    "tpu.region"() ({
      %run_scoped3A = tpu.sem_alloc : memref<!tpu.dma_semaphore, #tpu.memory_space<semaphore_mem>>
      %dma_start3A = tpu.memref_slice %arg10[%mul3A_52] : memref<10240xf32, #tpu.memory_space<vmem_shared>> -> memref<640xf32, #tpu.memory_space<vmem_shared>>
      %dma_start3A_55 = tpu.memref_slice %arg10[%mul3A_52] : memref<10240xf32, #tpu.memory_space<vmem_shared>> -> memref<640xf32, #tpu.memory_space<vmem_shared>>
      tpu.enqueue_dma source(%dma_start3A_55 : memref<640xf32, #tpu.memory_space<vmem_shared>>) target(%arg7 : memref<640xf32, #tpu.memory_space<vmem>>) target_semaphore(%run_scoped3A : memref<!tpu.dma_semaphore, #tpu.memory_space<semaphore_mem>>)
      %dma_wait3A = tpu.memref_slice %arg10[%mul3A_52] : memref<10240xf32, #tpu.memory_space<vmem_shared>> -> memref<640xf32, #tpu.memory_space<vmem_shared>>
      %dma_wait3A_56 = tpu.memref_slice %arg10[%mul3A_52] : memref<10240xf32, #tpu.memory_space<vmem_shared>> -> memref<640xf32, #tpu.memory_space<vmem_shared>>
      tpu.wait_dma2 semaphore(%run_scoped3A : memref<!tpu.dma_semaphore, #tpu.memory_space<semaphore_mem>>) src(%dma_wait3A_56 : memref<640xf32, #tpu.memory_space<vmem_shared>>) dst(%arg7 : memref<640xf32, #tpu.memory_space<vmem>>)
      tpu.yield
    }) : () -> ()
    %mul3A_53 = arith.constant 640 : i32
    %mul3A_54 = arith.muli %arg1, %mul3A_53 : i32
    "tpu.region"() ({
      %run_scoped3A = tpu.sem_alloc : memref<!tpu.dma_semaphore, #tpu.memory_space<semaphore_mem>>
      %dma_start3A = tpu.memref_slice %arg3[%arg0, %mul3A_54] : memref<2x10240xf32, #tpu.memory_space<hbm>> -> memref<1x640xf32, #tpu.memory_space<hbm>>
      %dma_start3A_55 = tpu.memref_squeeze %dma_start3A : memref<1x640xf32, #tpu.memory_space<hbm>> -> memref<640xf32, #tpu.memory_space<hbm>>
      %dma_start3A_56 = tpu.memref_slice %arg3[%arg0, %mul3A_54] : memref<2x10240xf32, #tpu.memory_space<hbm>> -> memref<1x640xf32, #tpu.memory_space<hbm>>
      %dma_start3A_57 = tpu.memref_squeeze %dma_start3A_56 : memref<1x640xf32, #tpu.memory_space<hbm>> -> memref<640xf32, #tpu.memory_space<hbm>>
      tpu.enqueue_dma source(%arg7 : memref<640xf32, #tpu.memory_space<vmem>>) target(%dma_start3A_57 : memref<640xf32, #tpu.memory_space<hbm>>) target_semaphore(%run_scoped3A : memref<!tpu.dma_semaphore, #tpu.memory_space<semaphore_mem>>)
      %dma_wait3A = tpu.memref_slice %arg3[%arg0, %mul3A_54] : memref<2x10240xf32, #tpu.memory_space<hbm>> -> memref<1x640xf32, #tpu.memory_space<hbm>>
      %dma_wait3A_58 = tpu.memref_squeeze %dma_wait3A : memref<1x640xf32, #tpu.memory_space<hbm>> -> memref<640xf32, #tpu.memory_space<hbm>>
      %dma_wait3A_59 = tpu.memref_slice %arg3[%arg0, %mul3A_54] : memref<2x10240xf32, #tpu.memory_space<hbm>> -> memref<1x640xf32, #tpu.memory_space<hbm>>
      %dma_wait3A_60 = tpu.memref_squeeze %dma_wait3A_59 : memref<1x640xf32, #tpu.memory_space<hbm>> -> memref<640xf32, #tpu.memory_space<hbm>>
      tpu.wait_dma2 semaphore(%run_scoped3A : memref<!tpu.dma_semaphore, #tpu.memory_space<semaphore_mem>>) src(%arg7 : memref<640xf32, #tpu.memory_space<vmem>>) dst(%dma_wait3A_60 : memref<640xf32, #tpu.memory_space<hbm>>)
      tpu.yield
    }) : () -> ()
    return
  }
}

#map = affine_map<(d0, d1) -> (0, 0)>
#map1 = affine_map<(d0, d1) -> (0)>
#map2 = affine_map<(d0, d1) -> (0, 0, 0)>
module attributes {stable_mosaic.version = 14 : i64} {
  func.func @scat(%arg0: i32, %arg1: i32, %arg2: memref<10240x128xf32, #tpu.memory_space<hbm>>, %arg3: memref<320000xi32, #tpu.memory_space<hbm>>, %arg4: memref<320000xi32, #tpu.memory_space<hbm>>, %arg5: memref<2x10240x128xf32, #tpu.memory_space<hbm>>, %arg6: memref<9984xi32, #tpu.memory_space<vmem>>, %arg7: memref<128xi32, #tpu.memory_space<vmem>>, %arg8: memref<128xi32, #tpu.memory_space<vmem>>, %arg9: memref<128xi32, #tpu.memory_space<vmem>>, %arg10: memref<128x128xf32, #tpu.memory_space<vmem>>, %arg11: memref<128x128xf32, #tpu.memory_space<vmem>>, %arg12: memref<!tpu.dma_semaphore, #tpu.memory_space<semaphore_mem>>, %arg13: memref<!tpu.dma_semaphore, #tpu.memory_space<semaphore_mem>>, %arg14: memref<!tpu.dma_semaphore, #tpu.memory_space<semaphore_mem>>, %arg15: memref<!tpu.dma_semaphore, #tpu.memory_space<semaphore_mem>>, %arg16: memref<10240x128xf32, #tpu.memory_space<vmem_shared>>) attributes {dimension_semantics = [#tpu.dimension_semantics<core_parallel>, #tpu.dimension_semantics<subcore_parallel>], iteration_bounds = array<i64: 2, 16>, scalar_prefetch = 0 : i64, scratch_operands = 11 : i64, tpu.core_type = #tpu.core_type<sc_vector_subcore>, window_params = [{transform_indices = #map}, {transform_indices = #map1}, {transform_indices = #map1}, {transform_indices = #map2}]} {
    %mul3A = arith.constant 16 : i32
    %mul3A_0 = arith.muli %arg0, %mul3A : i32
    %add3A = arith.addi %mul3A_0, %arg1 : i32
    %mul3A_1 = arith.constant 78 : i32
    %mul3A_2 = arith.muli %add3A, %mul3A_1 : i32
    %mul3A_3 = arith.constant 128 : i32
    %mul3A_4 = arith.muli %mul3A_2, %mul3A_3 : i32
    %scan3A = arith.constant 0 : i32
    %scan3A_5 = arith.constant 0 : i32
    %scan3A_6 = arith.constant 128 : i32
    %scan3A_7 = arith.addi %scan3A_5, %scan3A_6 : i32
    %scan3A_8 = arith.constant 1 : i32
    %scan3A_9 = scf.for %scan3A_52 = %scan3A_5 to %scan3A_7 step %scan3A_8 iter_args(%scan3A_53 = %scan3A) -> (i32)  : i32 {
      %scan3A_54 = arith.constant 0 : i32
      %scan3A_55 = arith.constant 0 : i32
      %scan3A_56 = arith.constant 8 : i32
      %scan3A_57 = arith.addi %scan3A_55, %scan3A_56 : i32
      %scan3A_58 = arith.constant 1 : i32
      %scan3A_59 = scf.for %scan3A_62 = %scan3A_55 to %scan3A_57 step %scan3A_58 iter_args(%scan3A_63 = %scan3A_54) -> (i32)  : i32 {
        %broadcast_in_dim3A = arith.constant 0.000000e+00 : f32
        %broadcast_in_dim3A_64 = vector.broadcast %broadcast_in_dim3A : f32 to vector<16xf32>
        %mul3A_65 = arith.constant 16 : i32
        %mul3A_66 = arith.muli %scan3A_62, %mul3A_65 : i32
        %swap3A = arith.index_cast %scan3A_52 : i32 to index
        %swap3A_67 = arith.index_cast %mul3A_66 : i32 to index
        %swap3A_68 = tpu.vector_load %arg10[%swap3A, %swap3A_67] {strides = array<i32>} : memref<128x128xf32, #tpu.memory_space<vmem>>, vector<1x16xf32>,
        %swap3A_69 = vector.shape_cast %swap3A_68 : vector<1x16xf32> to vector<16xf32>
        %swap3A_70 = vector.shape_cast %broadcast_in_dim3A_64 : vector<16xf32> to vector<1x16xf32>
        tpu.vector_store %arg10[%swap3A, %swap3A_67], %swap3A_70 {strides = array<i32>} : memref<128x128xf32, #tpu.memory_space<vmem>>, vector<1x16xf32>,
        %scan3A_71 = arith.constant 0 : i32
        scf.yield %scan3A_71 : i32
      }
      %scan3A_60 = arith.constant 8 : i32
      %scan3A_61 = arith.constant 0 : i32
      scf.yield %scan3A_61 : i32
    }
    %scan3A_10 = arith.constant 128 : i32
    %scan3A_11 = arith.constant 0 : i32
    %scan3A_12 = arith.constant 0 : i32
    %scan3A_13 = arith.constant 5 : i32
    %scan3A_14 = arith.addi %scan3A_12, %scan3A_13 : i32
    %scan3A_15 = arith.constant 1 : i32
    %scan3A_16 = scf.for %scan3A_52 = %scan3A_12 to %scan3A_14 step %scan3A_15 iter_args(%scan3A_53 = %scan3A_11) -> (i32)  : i32 {
      %mul3A_54 = arith.constant 640 : i32
      %mul3A_55 = arith.muli %arg1, %mul3A_54 : i32
      %mul3A_56 = arith.constant 128 : i32
      %mul3A_57 = arith.muli %scan3A_52, %mul3A_56 : i32
      %add3A_58 = arith.addi %mul3A_55, %mul3A_57 : i32
      "tpu.region"() ({
        %run_scoped3A = tpu.sem_alloc : memref<!tpu.dma_semaphore, #tpu.memory_space<semaphore_mem>>
        %dma_start3A_60 = arith.constant 0 : i32
        %dma_start3A_61 = tpu.memref_slice %arg16[%add3A_58, %dma_start3A_60] : memref<10240x128xf32, #tpu.memory_space<vmem_shared>> -> memref<128x128xf32, #tpu.memory_space<vmem_shared>>
        %dma_start3A_62 = arith.constant 0 : i32
        %dma_start3A_63 = tpu.memref_slice %arg16[%add3A_58, %dma_start3A_62] : memref<10240x128xf32, #tpu.memory_space<vmem_shared>> -> memref<128x128xf32, #tpu.memory_space<vmem_shared>>
        tpu.enqueue_dma source(%arg10 : memref<128x128xf32, #tpu.memory_space<vmem>>) target(%dma_start3A_63 : memref<128x128xf32, #tpu.memory_space<vmem_shared>>) target_semaphore(%run_scoped3A : memref<!tpu.dma_semaphore, #tpu.memory_space<semaphore_mem>>)
        %dma_wait3A = arith.constant 0 : i32
        %dma_wait3A_64 = tpu.memref_slice %arg16[%add3A_58, %dma_wait3A] : memref<10240x128xf32, #tpu.memory_space<vmem_shared>> -> memref<128x128xf32, #tpu.memory_space<vmem_shared>>
        %dma_wait3A_65 = arith.constant 0 : i32
        %dma_wait3A_66 = tpu.memref_slice %arg16[%add3A_58, %dma_wait3A_65] : memref<10240x128xf32, #tpu.memory_space<vmem_shared>> -> memref<128x128xf32, #tpu.memory_space<vmem_shared>>
        tpu.wait_dma2 semaphore(%run_scoped3A : memref<!tpu.dma_semaphore, #tpu.memory_space<semaphore_mem>>) src(%arg10 : memref<128x128xf32, #tpu.memory_space<vmem>>) dst(%dma_wait3A_66 : memref<128x128xf32, #tpu.memory_space<vmem_shared>>)
        tpu.yield
      }) : () -> ()
      %scan3A_59 = arith.constant 0 : i32
      scf.yield %scan3A_59 : i32
    }
    %scan3A_17 = arith.constant 5 : i32
    %barrier3A = arith.constant 0 : index
    tpu.barrier barrier_id(%barrier3A)
    "tpu.region"() ({
      %run_scoped3A = tpu.sem_alloc : memref<!tpu.dma_semaphore, #tpu.memory_space<semaphore_mem>>
      %dma_start3A_52 = tpu.memref_slice %arg3[%mul3A_4] : memref<320000xi32, #tpu.memory_space<hbm>> -> memref<9984xi32, #tpu.memory_space<hbm>>
      %dma_start3A_53 = tpu.memref_slice %arg3[%mul3A_4] : memref<320000xi32, #tpu.memory_space<hbm>> -> memref<9984xi32, #tpu.memory_space<hbm>>
      tpu.enqueue_dma source(%dma_start3A_53 : memref<9984xi32, #tpu.memory_space<hbm>>) target(%arg6 : memref<9984xi32, #tpu.memory_space<vmem>>) target_semaphore(%run_scoped3A : memref<!tpu.dma_semaphore, #tpu.memory_space<semaphore_mem>>)
      %dma_wait3A = tpu.memref_slice %arg3[%mul3A_4] : memref<320000xi32, #tpu.memory_space<hbm>> -> memref<9984xi32, #tpu.memory_space<hbm>>
      %dma_wait3A_54 = tpu.memref_slice %arg3[%mul3A_4] : memref<320000xi32, #tpu.memory_space<hbm>> -> memref<9984xi32, #tpu.memory_space<hbm>>
      tpu.wait_dma2 semaphore(%run_scoped3A : memref<!tpu.dma_semaphore, #tpu.memory_space<semaphore_mem>>) src(%dma_wait3A_54 : memref<9984xi32, #tpu.memory_space<hbm>>) dst(%arg6 : memref<9984xi32, #tpu.memory_space<vmem>>)
      tpu.yield
    }) : () -> ()
    %add3A_18 = arith.constant 0 : i32
    %add3A_19 = arith.addi %mul3A_4, %add3A_18 : i32
    %dma_start3A = tpu.memref_slice %arg4[%add3A_19] : memref<320000xi32, #tpu.memory_space<hbm>> -> memref<128xi32, #tpu.memory_space<hbm>>
    %dma_start3A_20 = tpu.memref_slice %arg4[%add3A_19] : memref<320000xi32, #tpu.memory_space<hbm>> -> memref<128xi32, #tpu.memory_space<hbm>>
    tpu.enqueue_dma source(%dma_start3A_20 : memref<128xi32, #tpu.memory_space<hbm>>) target(%arg8 : memref<128xi32, #tpu.memory_space<vmem>>) target_semaphore(%arg14 : memref<!tpu.dma_semaphore, #tpu.memory_space<semaphore_mem>>)
    %dma_start3A_21 = arith.constant 0 : i32
    %dma_start3A_22 = tpu.memref_slice %arg6[%dma_start3A_21] : memref<9984xi32, #tpu.memory_space<vmem>> -> memref<128xi32, #tpu.memory_space<vmem>>
    %dma_start3A_23 = arith.constant 0 : i32
    %dma_start3A_24 = arith.constant 0 : i32
    %dma_start3A_25 = tpu.memref_slice %arg2[%dma_start3A_23, %dma_start3A_24] : memref<10240x128xf32, #tpu.memory_space<hbm>> -> memref<10240x128xf32, #tpu.memory_space<hbm>>
    tpu.enqueue_indirect_dma source(%dma_start3A_25 : memref<10240x128xf32, #tpu.memory_space<hbm>>) target(%arg10 : memref<128x128xf32, #tpu.memory_space<vmem>>) offsets(%dma_start3A_22 : memref<128xi32, #tpu.memory_space<vmem>>) semaphore(%arg12 : memref<!tpu.dma_semaphore, #tpu.memory_space<semaphore_mem>>)
    %add3A_26 = arith.constant 128 : i32
    %add3A_27 = arith.addi %mul3A_4, %add3A_26 : i32
    %dma_start3A_28 = tpu.memref_slice %arg4[%add3A_27] : memref<320000xi32, #tpu.memory_space<hbm>> -> memref<128xi32, #tpu.memory_space<hbm>>
    %dma_start3A_29 = tpu.memref_slice %arg4[%add3A_27] : memref<320000xi32, #tpu.memory_space<hbm>> -> memref<128xi32, #tpu.memory_space<hbm>>
    tpu.enqueue_dma source(%dma_start3A_29 : memref<128xi32, #tpu.memory_space<hbm>>) target(%arg9 : memref<128xi32, #tpu.memory_space<vmem>>) target_semaphore(%arg15 : memref<!tpu.dma_semaphore, #tpu.memory_space<semaphore_mem>>)
    %dma_start3A_30 = arith.constant 128 : i32
    %dma_start3A_31 = tpu.memref_slice %arg6[%dma_start3A_30] : memref<9984xi32, #tpu.memory_space<vmem>> -> memref<128xi32, #tpu.memory_space<vmem>>
    %dma_start3A_32 = arith.constant 0 : i32
    %dma_start3A_33 = arith.constant 0 : i32
    %dma_start3A_34 = tpu.memref_slice %arg2[%dma_start3A_32, %dma_start3A_33] : memref<10240x128xf32, #tpu.memory_space<hbm>> -> memref<10240x128xf32, #tpu.memory_space<hbm>>
    tpu.enqueue_indirect_dma source(%dma_start3A_34 : memref<10240x128xf32, #tpu.memory_space<hbm>>) target(%arg11 : memref<128x128xf32, #tpu.memory_space<vmem>>) offsets(%dma_start3A_31 : memref<128xi32, #tpu.memory_space<vmem>>) semaphore(%arg13 : memref<!tpu.dma_semaphore, #tpu.memory_space<semaphore_mem>>)
    %scan3A_35 = arith.constant 0 : i32
    %scan3A_36 = arith.constant 0 : i32
    %scan3A_37 = arith.constant 39 : i32
    %scan3A_38 = arith.addi %scan3A_36, %scan3A_37 : i32
    %scan3A_39 = arith.constant 1 : i32
    %scan3A_40 = scf.for %scan3A_52 = %scan3A_36 to %scan3A_38 step %scan3A_39 iter_args(%scan3A_53 = %scan3A_35) -> (i32)  : i32 {
      %mul3A_54 = arith.constant 2 : i32
      %mul3A_55 = arith.muli %mul3A_54, %scan3A_52 : i32
      %add3A_56 = arith.constant 0 : i32
      %add3A_57 = arith.addi %mul3A_55, %add3A_56 : i32
      %mul3A_58 = arith.constant 128 : i32
      %mul3A_59 = arith.muli %add3A_57, %mul3A_58 : i32
      %dma_wait3A = tpu.memref_slice %arg6[%mul3A_59] : memref<9984xi32, #tpu.memory_space<vmem>> -> memref<128xi32, #tpu.memory_space<vmem>>
      %dma_wait3A_60 = arith.constant 0 : i32
      %dma_wait3A_61 = arith.constant 0 : i32
      %dma_wait3A_62 = tpu.memref_slice %arg2[%dma_wait3A_60, %dma_wait3A_61] : memref<10240x128xf32, #tpu.memory_space<hbm>> -> memref<10240x128xf32, #tpu.memory_space<hbm>>
      tpu.wait_indirect_dma semaphore(%arg12 : memref<!tpu.dma_semaphore, #tpu.memory_space<semaphore_mem>>) src(%dma_wait3A_62 : memref<10240x128xf32, #tpu.memory_space<hbm>>) dst(%arg10 : memref<128x128xf32, #tpu.memory_space<vmem>>)
      %dma_wait3A_63 = tpu.memref_slice %arg4[%mul3A_4] : memref<320000xi32, #tpu.memory_space<hbm>> -> memref<128xi32, #tpu.memory_space<hbm>>
      %dma_wait3A_64 = tpu.memref_slice %arg4[%mul3A_4] : memref<320000xi32, #tpu.memory_space<hbm>> -> memref<128xi32, #tpu.memory_space<hbm>>
      tpu.wait_dma2 semaphore(%arg14 : memref<!tpu.dma_semaphore, #tpu.memory_space<semaphore_mem>>) src(%dma_wait3A_64 : memref<128xi32, #tpu.memory_space<hbm>>) dst(%arg8 : memref<128xi32, #tpu.memory_space<vmem>>)
      "tpu.region"() ({
        %run_scoped3A = tpu.sem_alloc : memref<!tpu.dma_semaphore, #tpu.memory_space<semaphore_mem>>
        %dma_start3A_90 = arith.constant 0 : i32
        %dma_start3A_91 = arith.constant 0 : i32
        %dma_start3A_92 = tpu.memref_slice %arg16[%dma_start3A_90, %dma_start3A_91] : memref<10240x128xf32, #tpu.memory_space<vmem_shared>> -> memref<10240x128xf32, #tpu.memory_space<vmem_shared>>
        tpu.enqueue_indirect_dma source(%arg10 : memref<128x128xf32, #tpu.memory_space<vmem>>) target(%dma_start3A_92 : memref<10240x128xf32, #tpu.memory_space<vmem_shared>>) offsets(%arg8 : memref<128xi32, #tpu.memory_space<vmem>>) semaphore(%run_scoped3A : memref<!tpu.dma_semaphore, #tpu.memory_space<semaphore_mem>>) {add = true}
        %dma_wait3A_93 = arith.constant 0 : i32
        %dma_wait3A_94 = arith.constant 0 : i32
        %dma_wait3A_95 = tpu.memref_slice %arg16[%dma_wait3A_93, %dma_wait3A_94] : memref<10240x128xf32, #tpu.memory_space<vmem_shared>> -> memref<10240x128xf32, #tpu.memory_space<vmem_shared>>
        tpu.wait_indirect_dma semaphore(%run_scoped3A : memref<!tpu.dma_semaphore, #tpu.memory_space<semaphore_mem>>) src(%arg10 : memref<128x128xf32, #tpu.memory_space<vmem>>) dst(%dma_wait3A_95 : memref<10240x128xf32, #tpu.memory_space<vmem_shared>>)
        tpu.yield
      }) : () -> ()
      %add3A_65 = arith.constant 2 : i32
      %add3A_66 = arith.addi %add3A_57, %add3A_65 : i32
      %lt3A_67 = arith.constant 78 : i32
      %lt3A_68 = arith.cmpi slt, %add3A_66, %lt3A_67 : i32
      %convert_element_type3A_69 = arith.extui %lt3A_68 : i1 to i32
      %cond3A_70 = arith.constant 0 : i32
      %cond3A_71 = arith.cmpi ne, %convert_element_type3A_69, %cond3A_70 : i32
      scf.if %cond3A_71 {
        %add3A_90 = arith.constant 2 : i32
        %add3A_91 = arith.addi %add3A_57, %add3A_90 : i32
        %mul3A_92 = arith.constant 128 : i32
        %mul3A_93 = arith.muli %add3A_91, %mul3A_92 : i32
        %add3A_94 = arith.addi %mul3A_4, %mul3A_93 : i32
        %dma_start3A_95 = tpu.memref_slice %arg4[%add3A_94] : memref<320000xi32, #tpu.memory_space<hbm>> -> memref<128xi32, #tpu.memory_space<hbm>>
        %dma_start3A_96 = tpu.memref_slice %arg4[%add3A_94] : memref<320000xi32, #tpu.memory_space<hbm>> -> memref<128xi32, #tpu.memory_space<hbm>>
        tpu.enqueue_dma source(%dma_start3A_96 : memref<128xi32, #tpu.memory_space<hbm>>) target(%arg8 : memref<128xi32, #tpu.memory_space<vmem>>) target_semaphore(%arg14 : memref<!tpu.dma_semaphore, #tpu.memory_space<semaphore_mem>>)
        %add3A_97 = arith.constant 2 : i32
        %add3A_98 = arith.addi %add3A_57, %add3A_97 : i32
        %mul3A_99 = arith.constant 128 : i32
        %mul3A_100 = arith.muli %add3A_98, %mul3A_99 : i32
        %dma_start3A_101 = tpu.memref_slice %arg6[%mul3A_100] : memref<9984xi32, #tpu.memory_space<vmem>> -> memref<128xi32, #tpu.memory_space<vmem>>
        %dma_start3A_102 = arith.constant 0 : i32
        %dma_start3A_103 = arith.constant 0 : i32
        %dma_start3A_104 = tpu.memref_slice %arg2[%dma_start3A_102, %dma_start3A_103] : memref<10240x128xf32, #tpu.memory_space<hbm>> -> memref<10240x128xf32, #tpu.memory_space<hbm>>
        tpu.enqueue_indirect_dma source(%dma_start3A_104 : memref<10240x128xf32, #tpu.memory_space<hbm>>) target(%arg10 : memref<128x128xf32, #tpu.memory_space<vmem>>) offsets(%dma_start3A_101 : memref<128xi32, #tpu.memory_space<vmem>>) semaphore(%arg12 : memref<!tpu.dma_semaphore, #tpu.memory_space<semaphore_mem>>)
      } else {
      }
      %add3A_72 = arith.constant 1 : i32
      %add3A_73 = arith.addi %mul3A_55, %add3A_72 : i32
      %mul3A_74 = arith.constant 128 : i32
      %mul3A_75 = arith.muli %add3A_73, %mul3A_74 : i32
      %dma_wait3A_76 = tpu.memref_slice %arg6[%mul3A_75] : memref<9984xi32, #tpu.memory_space<vmem>> -> memref<128xi32, #tpu.memory_space<vmem>>
      %dma_wait3A_77 = arith.constant 0 : i32
      %dma_wait3A_78 = arith.constant 0 : i32
      %dma_wait3A_79 = tpu.memref_slice %arg2[%dma_wait3A_77, %dma_wait3A_78] : memref<10240x128xf32, #tpu.memory_space<hbm>> -> memref<10240x128xf32, #tpu.memory_space<hbm>>
      tpu.wait_indirect_dma semaphore(%arg13 : memref<!tpu.dma_semaphore, #tpu.memory_space<semaphore_mem>>) src(%dma_wait3A_79 : memref<10240x128xf32, #tpu.memory_space<hbm>>) dst(%arg11 : memref<128x128xf32, #tpu.memory_space<vmem>>)
      %dma_wait3A_80 = tpu.memref_slice %arg4[%mul3A_4] : memref<320000xi32, #tpu.memory_space<hbm>> -> memref<128xi32, #tpu.memory_space<hbm>>
      %dma_wait3A_81 = tpu.memref_slice %arg4[%mul3A_4] : memref<320000xi32, #tpu.memory_space<hbm>> -> memref<128xi32, #tpu.memory_space<hbm>>
      tpu.wait_dma2 semaphore(%arg15 : memref<!tpu.dma_semaphore, #tpu.memory_space<semaphore_mem>>) src(%dma_wait3A_81 : memref<128xi32, #tpu.memory_space<hbm>>) dst(%arg9 : memref<128xi32, #tpu.memory_space<vmem>>)
      "tpu.region"() ({
        %run_scoped3A = tpu.sem_alloc : memref<!tpu.dma_semaphore, #tpu.memory_space<semaphore_mem>>
        %dma_start3A_90 = arith.constant 0 : i32
        %dma_start3A_91 = arith.constant 0 : i32
        %dma_start3A_92 = tpu.memref_slice %arg16[%dma_start3A_90, %dma_start3A_91] : memref<10240x128xf32, #tpu.memory_space<vmem_shared>> -> memref<10240x128xf32, #tpu.memory_space<vmem_shared>>
        tpu.enqueue_indirect_dma source(%arg11 : memref<128x128xf32, #tpu.memory_space<vmem>>) target(%dma_start3A_92 : memref<10240x128xf32, #tpu.memory_space<vmem_shared>>) offsets(%arg9 : memref<128xi32, #tpu.memory_space<vmem>>) semaphore(%run_scoped3A : memref<!tpu.dma_semaphore, #tpu.memory_space<semaphore_mem>>) {add = true}
        %dma_wait3A_93 = arith.constant 0 : i32
        %dma_wait3A_94 = arith.constant 0 : i32
        %dma_wait3A_95 = tpu.memref_slice %arg16[%dma_wait3A_93, %dma_wait3A_94] : memref<10240x128xf32, #tpu.memory_space<vmem_shared>> -> memref<10240x128xf32, #tpu.memory_space<vmem_shared>>
        tpu.wait_indirect_dma semaphore(%run_scoped3A : memref<!tpu.dma_semaphore, #tpu.memory_space<semaphore_mem>>) src(%arg11 : memref<128x128xf32, #tpu.memory_space<vmem>>) dst(%dma_wait3A_95 : memref<10240x128xf32, #tpu.memory_space<vmem_shared>>)
        tpu.yield
      }) : () -> ()
      %add3A_82 = arith.constant 2 : i32
      %add3A_83 = arith.addi %add3A_73, %add3A_82 : i32
      %lt3A_84 = arith.constant 78 : i32
      %lt3A_85 = arith.cmpi slt, %add3A_83, %lt3A_84 : i32
      %convert_element_type3A_86 = arith.extui %lt3A_85 : i1 to i32
      %cond3A_87 = arith.constant 0 : i32
      %cond3A_88 = arith.cmpi ne, %convert_element_type3A_86, %cond3A_87 : i32
      scf.if %cond3A_88 {
        %add3A_90 = arith.constant 2 : i32
        %add3A_91 = arith.addi %add3A_73, %add3A_90 : i32
        %mul3A_92 = arith.constant 128 : i32
        %mul3A_93 = arith.muli %add3A_91, %mul3A_92 : i32
        %add3A_94 = arith.addi %mul3A_4, %mul3A_93 : i32
        %dma_start3A_95 = tpu.memref_slice %arg4[%add3A_94] : memref<320000xi32, #tpu.memory_space<hbm>> -> memref<128xi32, #tpu.memory_space<hbm>>
        %dma_start3A_96 = tpu.memref_slice %arg4[%add3A_94] : memref<320000xi32, #tpu.memory_space<hbm>> -> memref<128xi32, #tpu.memory_space<hbm>>
        tpu.enqueue_dma source(%dma_start3A_96 : memref<128xi32, #tpu.memory_space<hbm>>) target(%arg9 : memref<128xi32, #tpu.memory_space<vmem>>) target_semaphore(%arg15 : memref<!tpu.dma_semaphore, #tpu.memory_space<semaphore_mem>>)
        %add3A_97 = arith.constant 2 : i32
        %add3A_98 = arith.addi %add3A_73, %add3A_97 : i32
        %mul3A_99 = arith.constant 128 : i32
        %mul3A_100 = arith.muli %add3A_98, %mul3A_99 : i32
        %dma_start3A_101 = tpu.memref_slice %arg6[%mul3A_100] : memref<9984xi32, #tpu.memory_space<vmem>> -> memref<128xi32, #tpu.memory_space<vmem>>
        %dma_start3A_102 = arith.constant 0 : i32
        %dma_start3A_103 = arith.constant 0 : i32
        %dma_start3A_104 = tpu.memref_slice %arg2[%dma_start3A_102, %dma_start3A_103] : memref<10240x128xf32, #tpu.memory_space<hbm>> -> memref<10240x128xf32, #tpu.memory_space<hbm>>
        tpu.enqueue_indirect_dma source(%dma_start3A_104 : memref<10240x128xf32, #tpu.memory_space<hbm>>) target(%arg11 : memref<128x128xf32, #tpu.memory_space<vmem>>) offsets(%dma_start3A_101 : memref<128xi32, #tpu.memory_space<vmem>>) semaphore(%arg13 : memref<!tpu.dma_semaphore, #tpu.memory_space<semaphore_mem>>)
      } else {
      }
      %scan3A_89 = arith.constant 0 : i32
      scf.yield %scan3A_89 : i32
    }
    %scan3A_41 = arith.constant 39 : i32
    %lt3A = arith.constant 4 : i32
    %lt3A_42 = arith.cmpi slt, %add3A, %lt3A : i32
    %convert_element_type3A = arith.extui %lt3A_42 : i1 to i32
    %cond3A = arith.constant 0 : i32
    %cond3A_43 = arith.cmpi ne, %convert_element_type3A, %cond3A : i32
    scf.if %cond3A_43 {
      %add3A_52 = arith.constant 2496 : i32
      %add3A_53 = arith.addi %add3A_52, %add3A : i32
      %mul3A_54 = arith.constant 128 : i32
      %mul3A_55 = arith.muli %add3A_53, %mul3A_54 : i32
      "tpu.region"() ({
        %run_scoped3A = tpu.sem_alloc : memref<!tpu.dma_semaphore, #tpu.memory_space<semaphore_mem>>
        %dma_start3A_61 = tpu.memref_slice %arg3[%mul3A_55] : memref<320000xi32, #tpu.memory_space<hbm>> -> memref<128xi32, #tpu.memory_space<hbm>>
        %dma_start3A_62 = tpu.memref_slice %arg3[%mul3A_55] : memref<320000xi32, #tpu.memory_space<hbm>> -> memref<128xi32, #tpu.memory_space<hbm>>
        tpu.enqueue_dma source(%dma_start3A_62 : memref<128xi32, #tpu.memory_space<hbm>>) target(%arg7 : memref<128xi32, #tpu.memory_space<vmem>>) target_semaphore(%run_scoped3A : memref<!tpu.dma_semaphore, #tpu.memory_space<semaphore_mem>>)
        %dma_wait3A_63 = tpu.memref_slice %arg3[%mul3A_55] : memref<320000xi32, #tpu.memory_space<hbm>> -> memref<128xi32, #tpu.memory_space<hbm>>
        %dma_wait3A_64 = tpu.memref_slice %arg3[%mul3A_55] : memref<320000xi32, #tpu.memory_space<hbm>> -> memref<128xi32, #tpu.memory_space<hbm>>
        tpu.wait_dma2 semaphore(%run_scoped3A : memref<!tpu.dma_semaphore, #tpu.memory_space<semaphore_mem>>) src(%dma_wait3A_64 : memref<128xi32, #tpu.memory_space<hbm>>) dst(%arg7 : memref<128xi32, #tpu.memory_space<vmem>>)
        tpu.yield
      }) : () -> ()
      "tpu.region"() ({
        %run_scoped3A = tpu.sem_alloc : memref<!tpu.dma_semaphore, #tpu.memory_space<semaphore_mem>>
        %dma_start3A_61 = tpu.memref_slice %arg4[%mul3A_55] : memref<320000xi32, #tpu.memory_space<hbm>> -> memref<128xi32, #tpu.memory_space<hbm>>
        %dma_start3A_62 = tpu.memref_slice %arg4[%mul3A_55] : memref<320000xi32, #tpu.memory_space<hbm>> -> memref<128xi32, #tpu.memory_space<hbm>>
        tpu.enqueue_dma source(%dma_start3A_62 : memref<128xi32, #tpu.memory_space<hbm>>) target(%arg8 : memref<128xi32, #tpu.memory_space<vmem>>) target_semaphore(%run_scoped3A : memref<!tpu.dma_semaphore, #tpu.memory_space<semaphore_mem>>)
        %dma_wait3A_63 = tpu.memref_slice %arg4[%mul3A_55] : memref<320000xi32, #tpu.memory_space<hbm>> -> memref<128xi32, #tpu.memory_space<hbm>>
        %dma_wait3A_64 = tpu.memref_slice %arg4[%mul3A_55] : memref<320000xi32, #tpu.memory_space<hbm>> -> memref<128xi32, #tpu.memory_space<hbm>>
        tpu.wait_dma2 semaphore(%run_scoped3A : memref<!tpu.dma_semaphore, #tpu.memory_space<semaphore_mem>>) src(%dma_wait3A_64 : memref<128xi32, #tpu.memory_space<hbm>>) dst(%arg8 : memref<128xi32, #tpu.memory_space<vmem>>)
        tpu.yield
      }) : () -> ()
      %dma_start3A_56 = arith.constant 0 : i32
      %dma_start3A_57 = arith.constant 0 : i32
      %dma_start3A_58 = tpu.memref_slice %arg2[%dma_start3A_56, %dma_start3A_57] : memref<10240x128xf32, #tpu.memory_space<hbm>> -> memref<10240x128xf32, #tpu.memory_space<hbm>>
      tpu.enqueue_indirect_dma source(%dma_start3A_58 : memref<10240x128xf32, #tpu.memory_space<hbm>>) target(%arg10 : memref<128x128xf32, #tpu.memory_space<vmem>>) offsets(%arg7 : memref<128xi32, #tpu.memory_space<vmem>>) semaphore(%arg12 : memref<!tpu.dma_semaphore, #tpu.memory_space<semaphore_mem>>)
      %dma_wait3A = arith.constant 0 : i32
      %dma_wait3A_59 = arith.constant 0 : i32
      %dma_wait3A_60 = tpu.memref_slice %arg2[%dma_wait3A, %dma_wait3A_59] : memref<10240x128xf32, #tpu.memory_space<hbm>> -> memref<10240x128xf32, #tpu.memory_space<hbm>>
      tpu.wait_indirect_dma semaphore(%arg12 : memref<!tpu.dma_semaphore, #tpu.memory_space<semaphore_mem>>) src(%dma_wait3A_60 : memref<10240x128xf32, #tpu.memory_space<hbm>>) dst(%arg10 : memref<128x128xf32, #tpu.memory_space<vmem>>)
      "tpu.region"() ({
        %run_scoped3A = tpu.sem_alloc : memref<!tpu.dma_semaphore, #tpu.memory_space<semaphore_mem>>
        %dma_start3A_61 = arith.constant 0 : i32
        %dma_start3A_62 = arith.constant 0 : i32
        %dma_start3A_63 = tpu.memref_slice %arg16[%dma_start3A_61, %dma_start3A_62] : memref<10240x128xf32, #tpu.memory_space<vmem_shared>> -> memref<10240x128xf32, #tpu.memory_space<vmem_shared>>
        tpu.enqueue_indirect_dma source(%arg10 : memref<128x128xf32, #tpu.memory_space<vmem>>) target(%dma_start3A_63 : memref<10240x128xf32, #tpu.memory_space<vmem_shared>>) offsets(%arg8 : memref<128xi32, #tpu.memory_space<vmem>>) semaphore(%run_scoped3A : memref<!tpu.dma_semaphore, #tpu.memory_space<semaphore_mem>>) {add = true}
        %dma_wait3A_64 = arith.constant 0 : i32
        %dma_wait3A_65 = arith.constant 0 : i32
        %dma_wait3A_66 = tpu.memref_slice %arg16[%dma_wait3A_64, %dma_wait3A_65] : memref<10240x128xf32, #tpu.memory_space<vmem_shared>> -> memref<10240x128xf32, #tpu.memory_space<vmem_shared>>
        tpu.wait_indirect_dma semaphore(%run_scoped3A : memref<!tpu.dma_semaphore, #tpu.memory_space<semaphore_mem>>) src(%arg10 : memref<128x128xf32, #tpu.memory_space<vmem>>) dst(%dma_wait3A_66 : memref<10240x128xf32, #tpu.memory_space<vmem_shared>>)
        tpu.yield
      }) : () -> ()
    } else {
    }
    %barrier3A_44 = arith.constant 0 : index
    tpu.barrier barrier_id(%barrier3A_44)
    %scan3A_45 = arith.constant 0 : i32
    %scan3A_46 = arith.constant 0 : i32
    %scan3A_47 = arith.constant 5 : i32
    %scan3A_48 = arith.addi %scan3A_46, %scan3A_47 : i32
    %scan3A_49 = arith.constant 1 : i32
    %scan3A_50 = scf.for %scan3A_52 = %scan3A_46 to %scan3A_48 step %scan3A_49 iter_args(%scan3A_53 = %scan3A_45) -> (i32)  : i32 {
      %mul3A_54 = arith.constant 640 : i32
      %mul3A_55 = arith.muli %arg1, %mul3A_54 : i32
      %mul3A_56 = arith.constant 128 : i32
      %mul3A_57 = arith.muli %scan3A_52, %mul3A_56 : i32
      %add3A_58 = arith.addi %mul3A_55, %mul3A_57 : i32
      "tpu.region"() ({
        %run_scoped3A = tpu.sem_alloc : memref<!tpu.dma_semaphore, #tpu.memory_space<semaphore_mem>>
        %dma_start3A_60 = arith.constant 0 : i32
        %dma_start3A_61 = tpu.memref_slice %arg16[%add3A_58, %dma_start3A_60] : memref<10240x128xf32, #tpu.memory_space<vmem_shared>> -> memref<128x128xf32, #tpu.memory_space<vmem_shared>>
        %dma_start3A_62 = arith.constant 0 : i32
        %dma_start3A_63 = tpu.memref_slice %arg16[%add3A_58, %dma_start3A_62] : memref<10240x128xf32, #tpu.memory_space<vmem_shared>> -> memref<128x128xf32, #tpu.memory_space<vmem_shared>>
        tpu.enqueue_dma source(%dma_start3A_63 : memref<128x128xf32, #tpu.memory_space<vmem_shared>>) target(%arg10 : memref<128x128xf32, #tpu.memory_space<vmem>>) target_semaphore(%run_scoped3A : memref<!tpu.dma_semaphore, #tpu.memory_space<semaphore_mem>>)
        %dma_wait3A = arith.constant 0 : i32
        %dma_wait3A_64 = tpu.memref_slice %arg16[%add3A_58, %dma_wait3A] : memref<10240x128xf32, #tpu.memory_space<vmem_shared>> -> memref<128x128xf32, #tpu.memory_space<vmem_shared>>
        %dma_wait3A_65 = arith.constant 0 : i32
        %dma_wait3A_66 = tpu.memref_slice %arg16[%add3A_58, %dma_wait3A_65] : memref<10240x128xf32, #tpu.memory_space<vmem_shared>> -> memref<128x128xf32, #tpu.memory_space<vmem_shared>>
        tpu.wait_dma2 semaphore(%run_scoped3A : memref<!tpu.dma_semaphore, #tpu.memory_space<semaphore_mem>>) src(%dma_wait3A_66 : memref<128x128xf32, #tpu.memory_space<vmem_shared>>) dst(%arg10 : memref<128x128xf32, #tpu.memory_space<vmem>>)
        tpu.yield
      }) : () -> ()
      "tpu.region"() ({
        %run_scoped3A = tpu.sem_alloc : memref<!tpu.dma_semaphore, #tpu.memory_space<semaphore_mem>>
        %dma_start3A_60 = arith.constant 0 : i32
        %dma_start3A_61 = tpu.memref_slice %arg5[%arg0, %add3A_58, %dma_start3A_60] : memref<2x10240x128xf32, #tpu.memory_space<hbm>> -> memref<1x128x128xf32, #tpu.memory_space<hbm>>
        %dma_start3A_62 = tpu.memref_squeeze %dma_start3A_61 : memref<1x128x128xf32, #tpu.memory_space<hbm>> -> memref<128x128xf32, #tpu.memory_space<hbm>>
        %dma_start3A_63 = arith.constant 0 : i32
        %dma_start3A_64 = tpu.memref_slice %arg5[%arg0, %add3A_58, %dma_start3A_63] : memref<2x10240x128xf32, #tpu.memory_space<hbm>> -> memref<1x128x128xf32, #tpu.memory_space<hbm>>
        %dma_start3A_65 = tpu.memref_squeeze %dma_start3A_64 : memref<1x128x128xf32, #tpu.memory_space<hbm>> -> memref<128x128xf32, #tpu.memory_space<hbm>>
        tpu.enqueue_dma source(%arg10 : memref<128x128xf32, #tpu.memory_space<vmem>>) target(%dma_start3A_65 : memref<128x128xf32, #tpu.memory_space<hbm>>) target_semaphore(%run_scoped3A : memref<!tpu.dma_semaphore, #tpu.memory_space<semaphore_mem>>)
        %dma_wait3A = arith.constant 0 : i32
        %dma_wait3A_66 = tpu.memref_slice %arg5[%arg0, %add3A_58, %dma_wait3A] : memref<2x10240x128xf32, #tpu.memory_space<hbm>> -> memref<1x128x128xf32, #tpu.memory_space<hbm>>
        %dma_wait3A_67 = tpu.memref_squeeze %dma_wait3A_66 : memref<1x128x128xf32, #tpu.memory_space<hbm>> -> memref<128x128xf32, #tpu.memory_space<hbm>>
        %dma_wait3A_68 = arith.constant 0 : i32
        %dma_wait3A_69 = tpu.memref_slice %arg5[%arg0, %add3A_58, %dma_wait3A_68] : memref<2x10240x128xf32, #tpu.memory_space<hbm>> -> memref<1x128x128xf32, #tpu.memory_space<hbm>>
        %dma_wait3A_70 = tpu.memref_squeeze %dma_wait3A_69 : memref<1x128x128xf32, #tpu.memory_space<hbm>> -> memref<128x128xf32, #tpu.memory_space<hbm>>
        tpu.wait_dma2 semaphore(%run_scoped3A : memref<!tpu.dma_semaphore, #tpu.memory_space<semaphore_mem>>) src(%arg10 : memref<128x128xf32, #tpu.memory_space<vmem>>) dst(%dma_wait3A_70 : memref<128x128xf32, #tpu.memory_space<hbm>>)
        tpu.yield
      }) : () -> ()
      %scan3A_59 = arith.constant 0 : i32
      scf.yield %scan3A_59 : i32
    }
    %scan3A_51 = arith.constant 5 : i32
    return
  }
}

module attributes {stable_mosaic.version = 14 : i64} {
  func.func @body(%arg0: i32, %arg1: memref<256x128xf32, #tpu.memory_space<vmem>>, %arg2: memref<128x128xf32, #tpu.memory_space<vmem>>, %arg3: memref<256x1xf32, #tpu.memory_space<vmem>>, %arg4: memref<256x128xf32, #tpu.memory_space<vmem>>) attributes {dimension_semantics = [#tpu.dimension_semantics<arbitrary>], iteration_bounds = array<i64: 40>, scalar_prefetch = 0 : i64, scratch_operands = 0 : i64, tpu.core_type = #tpu.core_type<tc>, window_params = [{transform_indices = @transform_0, window_bounds = array<i64: 256, 128>}, {pipeline_mode = #tpu.pipeline_mode<synchronous>, transform_indices = @transform_1, window_bounds = array<i64: 128, 128>}, {transform_indices = @transform_2, window_bounds = array<i64: 256, 1>}, {transform_indices = @transform_3, window_bounds = array<i64: 256, 128>}]} {
    %get3A = arith.constant 0 : index
    %get3A_0 = arith.constant 0 : index
    %get3A_1 = vector.load %arg1[%get3A, %get3A_0] : memref<256x128xf32, #tpu.memory_space<vmem>>, vector<256x128xf32>
    %get3A_2 = arith.constant 0 : index
    %get3A_3 = arith.constant 0 : index
    %get3A_4 = vector.load %arg2[%get3A_2, %get3A_3] : memref<128x128xf32, #tpu.memory_space<vmem>>, vector<128x128xf32>
    %dot_general3A = arith.constant dense<0.000000e+00> : vector<256x128xf32>
    %dot_general3A_5 = tpu.matmul %get3A_1, %get3A_4, %dot_general3A {dimension_numbers = #tpu.dot_dimension_numbers<[1], [0], [0], [1], [0, 0, 1, 1], [], []>, transpose_lhs_hint = false} : vector<256x128xf32>, vector<128x128xf32>, vector<256x128xf32> -> vector<256x128xf32>
    %get3A_6 = arith.constant 0 : index
    %get3A_7 = arith.constant 0 : index
    %get3A_8 = vector.load %arg3[%get3A_6, %get3A_7] : memref<256x1xf32, #tpu.memory_space<vmem>>, vector<256x1xf32>
    %mul3A = vector.broadcast %get3A_8 : vector<256x1xf32> to vector<256x128xf32>
    %mul3A_9 = arith.mulf %dot_general3A_5, %mul3A : vector<256x128xf32>
    %swap3A = arith.constant 0 : index
    %swap3A_10 = arith.constant 0 : index
    %swap3A_11 = vector.load %arg4[%swap3A, %swap3A_10] : memref<256x128xf32, #tpu.memory_space<vmem>>, vector<256x128xf32>
    tpu.vector_store %arg4[%swap3A, %swap3A_10], %mul3A_9 {strides = array<i32>} : memref<256x128xf32, #tpu.memory_space<vmem>>, vector<256x128xf32>,
    return
  }
  func.func @transform_0(%arg0: i32) -> (i32, i32) {
    %c0_i32 = arith.constant 0 : i32
    %c0_i32_0 = arith.constant 0 : i32
    return %arg0, %c0_i32 : i32, i32
  }
  func.func @transform_1(%arg0: i32) -> (i32, i32) {
    %c0_i32 = arith.constant 0 : i32
    %c0_i32_0 = arith.constant 0 : i32
    %c0_i32_1 = arith.constant 0 : i32
    return %c0_i32, %c0_i32_0 : i32, i32
  }
  func.func @transform_2(%arg0: i32) -> (i32, i32) {
    %c0_i32 = arith.constant 0 : i32
    %c0_i32_0 = arith.constant 0 : i32
    return %arg0, %c0_i32 : i32, i32
  }
  func.func @transform_3(%arg0: i32) -> (i32, i32) {
    %c0_i32 = arith.constant 0 : i32
    %c0_i32_0 = arith.constant 0 : i32
    return %arg0, %c0_i32 : i32, i32
  }
}

module attributes {stable_mosaic.version = 14 : i64} {
  func.func @body(%arg0: i32, %arg1: memref<2x256x128xf32, #tpu.memory_space<vmem>>, %arg2: memref<256x128xf32, #tpu.memory_space<vmem>>, %arg3: memref<256x1xf32, #tpu.memory_space<vmem>>, %arg4: memref<1x128xf32, #tpu.memory_space<vmem>>, %arg5: memref<128x128xf32, #tpu.memory_space<vmem>>, %arg6: memref<256x128xf32, #tpu.memory_space<vmem>>) attributes {dimension_semantics = [#tpu.dimension_semantics<arbitrary>], iteration_bounds = array<i64: 40>, scalar_prefetch = 0 : i64, scratch_operands = 0 : i64, tpu.core_type = #tpu.core_type<tc>, window_params = [{transform_indices = @transform_0, window_bounds = array<i64: 2, 256, 128>}, {transform_indices = @transform_1, window_bounds = array<i64: 256, 128>}, {transform_indices = @transform_2, window_bounds = array<i64: 256, 1>}, {pipeline_mode = #tpu.pipeline_mode<synchronous>, transform_indices = @transform_3, window_bounds = array<i64: 1, 128>}, {pipeline_mode = #tpu.pipeline_mode<synchronous>, transform_indices = @transform_4, window_bounds = array<i64: 128, 128>}, {transform_indices = @transform_5, window_bounds = array<i64: 256, 128>}]} {
    %get3A = arith.constant 0 : index
    %get3A_0 = arith.constant 0 : index
    %get3A_1 = vector.load %arg3[%get3A, %get3A_0] : memref<256x1xf32, #tpu.memory_space<vmem>>, vector<256x1xf32>
    %get3A_2 = arith.constant 0 : index
    %get3A_3 = arith.constant 0 : index
    %get3A_4 = arith.constant 0 : index
    %get3A_5 = vector.load %arg1[%get3A_2, %get3A_3, %get3A_4] : memref<2x256x128xf32, #tpu.memory_space<vmem>>, vector<1x256x128xf32>
    %get3A_6 = vector.shape_cast %get3A_5 : vector<1x256x128xf32> to vector<256x128xf32>
    %get3A_7 = arith.constant 1 : index
    %get3A_8 = arith.constant 0 : index
    %get3A_9 = arith.constant 0 : index
    %get3A_10 = vector.load %arg1[%get3A_7, %get3A_8, %get3A_9] : memref<2x256x128xf32, #tpu.memory_space<vmem>>, vector<1x256x128xf32>
    %get3A_11 = vector.shape_cast %get3A_10 : vector<1x256x128xf32> to vector<256x128xf32>
    %add3A = arith.addf %get3A_6, %get3A_11 : vector<256x128xf32>
    %get3A_12 = arith.constant 0 : index
    %get3A_13 = arith.constant 0 : index
    %get3A_14 = vector.load %arg2[%get3A_12, %get3A_13] : memref<256x128xf32, #tpu.memory_space<vmem>>, vector<256x128xf32>
    %add3A_15 = arith.addf %add3A, %get3A_14 : vector<256x128xf32>
    %mul3A = vector.broadcast %get3A_1 : vector<256x1xf32> to vector<256x128xf32>
    %mul3A_16 = arith.mulf %add3A_15, %mul3A : vector<256x128xf32>
    %get3A_17 = arith.constant 0 : index
    %get3A_18 = arith.constant 0 : index
    %get3A_19 = vector.load %arg4[%get3A_17, %get3A_18] : memref<1x128xf32, #tpu.memory_space<vmem>>, vector<1x128xf32>
    %add3A_20 = vector.broadcast %get3A_19 : vector<1x128xf32> to vector<256x128xf32>
    %add3A_21 = arith.addf %mul3A_16, %add3A_20 : vector<256x128xf32>
    %max3A = arith.constant 0.000000e+00 : f32
    %max3A_22 = vector.broadcast %max3A : f32 to vector<256x128xf32>
    %max3A_23 = arith.maximumf %add3A_21, %max3A_22 : vector<256x128xf32>
    %get3A_24 = arith.constant 0 : index
    %get3A_25 = arith.constant 0 : index
    %get3A_26 = vector.load %arg5[%get3A_24, %get3A_25] : memref<128x128xf32, #tpu.memory_space<vmem>>, vector<128x128xf32>
    %dot_general3A = arith.constant dense<0.000000e+00> : vector<256x128xf32>
    %dot_general3A_27 = tpu.matmul %max3A_23, %get3A_26, %dot_general3A {dimension_numbers = #tpu.dot_dimension_numbers<[1], [0], [0], [1], [0, 0, 1, 1], [], []>, transpose_lhs_hint = false} : vector<256x128xf32>, vector<128x128xf32>, vector<256x128xf32> -> vector<256x128xf32>
    %mul3A_28 = vector.broadcast %get3A_1 : vector<256x1xf32> to vector<256x128xf32>
    %mul3A_29 = arith.mulf %dot_general3A_27, %mul3A_28 : vector<256x128xf32>
    %swap3A = arith.constant 0 : index
    %swap3A_30 = arith.constant 0 : index
    %swap3A_31 = vector.load %arg6[%swap3A, %swap3A_30] : memref<256x128xf32, #tpu.memory_space<vmem>>, vector<256x128xf32>
    tpu.vector_store %arg6[%swap3A, %swap3A_30], %mul3A_29 {strides = array<i32>} : memref<256x128xf32, #tpu.memory_space<vmem>>, vector<256x128xf32>,
    return
  }
  func.func @transform_0(%arg0: i32) -> (i32, i32, i32) {
    %c0_i32 = arith.constant 0 : i32
    %c0_i32_0 = arith.constant 0 : i32
    %c0_i32_1 = arith.constant 0 : i32
    return %c0_i32, %arg0, %c0_i32_0 : i32, i32, i32
  }
  func.func @transform_1(%arg0: i32) -> (i32, i32) {
    %c0_i32 = arith.constant 0 : i32
    %c0_i32_0 = arith.constant 0 : i32
    return %arg0, %c0_i32 : i32, i32
  }
  func.func @transform_2(%arg0: i32) -> (i32, i32) {
    %c0_i32 = arith.constant 0 : i32
    %c0_i32_0 = arith.constant 0 : i32
    return %arg0, %c0_i32 : i32, i32
  }
  func.func @transform_3(%arg0: i32) -> (i32, i32) {
    %c0_i32 = arith.constant 0 : i32
    %c0_i32_0 = arith.constant 0 : i32
    %c0_i32_1 = arith.constant 0 : i32
    return %c0_i32, %c0_i32_0 : i32, i32
  }
  func.func @transform_4(%arg0: i32) -> (i32, i32) {
    %c0_i32 = arith.constant 0 : i32
    %c0_i32_0 = arith.constant 0 : i32
    %c0_i32_1 = arith.constant 0 : i32
    return %c0_i32, %c0_i32_0 : i32, i32
  }
  func.func @transform_5(%arg0: i32) -> (i32, i32) {
    %c0_i32 = arith.constant 0 : i32
    %c0_i32_0 = arith.constant 0 : i32
    return %arg0, %c0_i32 : i32, i32
  }
}

module attributes {stable_mosaic.version = 14 : i64} {
  func.func @body(%arg0: i32, %arg1: memref<2x256x128xf32, #tpu.memory_space<vmem>>, %arg2: memref<256x128xf32, #tpu.memory_space<vmem>>, %arg3: memref<256x1xf32, #tpu.memory_space<vmem>>, %arg4: memref<1x128xf32, #tpu.memory_space<vmem>>, %arg5: memref<256x128xf32, #tpu.memory_space<vmem>>) attributes {dimension_semantics = [#tpu.dimension_semantics<arbitrary>], iteration_bounds = array<i64: 40>, scalar_prefetch = 0 : i64, scratch_operands = 0 : i64, tpu.core_type = #tpu.core_type<tc>, window_params = [{transform_indices = @transform_0, window_bounds = array<i64: 2, 256, 128>}, {transform_indices = @transform_1, window_bounds = array<i64: 256, 128>}, {transform_indices = @transform_2, window_bounds = array<i64: 256, 1>}, {pipeline_mode = #tpu.pipeline_mode<synchronous>, transform_indices = @transform_3, window_bounds = array<i64: 1, 128>}, {transform_indices = @transform_4, window_bounds = array<i64: 256, 128>}]} {
    %get3A = arith.constant 0 : index
    %get3A_0 = arith.constant 0 : index
    %get3A_1 = arith.constant 0 : index
    %get3A_2 = vector.load %arg1[%get3A, %get3A_0, %get3A_1] : memref<2x256x128xf32, #tpu.memory_space<vmem>>, vector<1x256x128xf32>
    %get3A_3 = vector.shape_cast %get3A_2 : vector<1x256x128xf32> to vector<256x128xf32>
    %get3A_4 = arith.constant 1 : index
    %get3A_5 = arith.constant 0 : index
    %get3A_6 = arith.constant 0 : index
    %get3A_7 = vector.load %arg1[%get3A_4, %get3A_5, %get3A_6] : memref<2x256x128xf32, #tpu.memory_space<vmem>>, vector<1x256x128xf32>
    %get3A_8 = vector.shape_cast %get3A_7 : vector<1x256x128xf32> to vector<256x128xf32>
    %add3A = arith.addf %get3A_3, %get3A_8 : vector<256x128xf32>
    %get3A_9 = arith.constant 0 : index
    %get3A_10 = arith.constant 0 : index
    %get3A_11 = vector.load %arg2[%get3A_9, %get3A_10] : memref<256x128xf32, #tpu.memory_space<vmem>>, vector<256x128xf32>
    %add3A_12 = arith.addf %add3A, %get3A_11 : vector<256x128xf32>
    %get3A_13 = arith.constant 0 : index
    %get3A_14 = arith.constant 0 : index
    %get3A_15 = vector.load %arg3[%get3A_13, %get3A_14] : memref<256x1xf32, #tpu.memory_space<vmem>>, vector<256x1xf32>
    %mul3A = vector.broadcast %get3A_15 : vector<256x1xf32> to vector<256x128xf32>
    %mul3A_16 = arith.mulf %add3A_12, %mul3A : vector<256x128xf32>
    %get3A_17 = arith.constant 0 : index
    %get3A_18 = arith.constant 0 : index
    %get3A_19 = vector.load %arg4[%get3A_17, %get3A_18] : memref<1x128xf32, #tpu.memory_space<vmem>>, vector<1x128xf32>
    %add3A_20 = vector.broadcast %get3A_19 : vector<1x128xf32> to vector<256x128xf32>
    %add3A_21 = arith.addf %mul3A_16, %add3A_20 : vector<256x128xf32>
    %swap3A = arith.constant 0 : index
    %swap3A_22 = arith.constant 0 : index
    %swap3A_23 = vector.load %arg5[%swap3A, %swap3A_22] : memref<256x128xf32, #tpu.memory_space<vmem>>, vector<256x128xf32>
    tpu.vector_store %arg5[%swap3A, %swap3A_22], %add3A_21 {strides = array<i32>} : memref<256x128xf32, #tpu.memory_space<vmem>>, vector<256x128xf32>,
    return
  }
  func.func @transform_0(%arg0: i32) -> (i32, i32, i32) {
    %c0_i32 = arith.constant 0 : i32
    %c0_i32_0 = arith.constant 0 : i32
    %c0_i32_1 = arith.constant 0 : i32
    return %c0_i32, %arg0, %c0_i32_0 : i32, i32, i32
  }
  func.func @transform_1(%arg0: i32) -> (i32, i32) {
    %c0_i32 = arith.constant 0 : i32
    %c0_i32_0 = arith.constant 0 : i32
    return %arg0, %c0_i32 : i32, i32
  }
  func.func @transform_2(%arg0: i32) -> (i32, i32) {
    %c0_i32 = arith.constant 0 : i32
    %c0_i32_0 = arith.constant 0 : i32
    return %arg0, %c0_i32 : i32, i32
  }
  func.func @transform_3(%arg0: i32) -> (i32, i32) {
    %c0_i32 = arith.constant 0 : i32
    %c0_i32_0 = arith.constant 0 : i32
    %c0_i32_1 = arith.constant 0 : i32
    return %c0_i32, %c0_i32_0 : i32, i32
  }
  func.func @transform_4(%arg0: i32) -> (i32, i32) {
    %c0_i32 = arith.constant 0 : i32
    %c0_i32_0 = arith.constant 0 : i32
    return %arg0, %c0_i32 : i32, i32
  }
}

</mosaic_0001>

<sc_bundles>
// kernel: kernel.11.cloned.1.call-start
scs
__scs_entry_jumppad:
0x0: {  	(pc) =	sbr.rel $0x88, $3  }
0x1: {  	(tag) =	ssettag $0x0;
	lr =	simm.s32 $0x1  }
0x2: {  	[smem:$0x3F9B] =	sst lr;
	_ =	strace $0xD0000000  }
0x3: {  	_ = 	snop  }
0x4: {  	_ = 	snop  }
0x5: {  	_ = 	snop  }
0x6: {  	_ = 	snop  }
0x7: {  	_ = 	snop  }
__scs_overlays_trampoline_lowered:
0x8: {  	[smem:$0x3FAA] =	sst s0  }
0x9: {  	[smem:$0x3FAB] =	sst s1  }
0xa: {  	[smem:$0x3FAC] =	sst s2  }
0xb: {  	[smem:$0x3FAD] =	sst s3  }
0xc: {  	[smem:$0x3FAE] =	sst s4  }
0xd: {  	[smem:$0x3FAF] =	sst s5  }
0xe: {  	[smem:$0x3FB0] =	sst s6  }
0xf: {  	[smem:$0x3FB1] =	sst s7  }
0x10: {  	[smem:$0x3FB2] =	sst s8  }
0x11: {  	[smem:$0x3FB3] =	sst s9;
	s0 =	simm.s32 @!p0 $0x0  }
0x12: {  	s1 =	sld [smem:$0x3F99];
	s0 =	simm.s32 @p0 $0x1  }
0x13: {  	[smem:$0x3FB4] =	sst s0;
	s0 =	simm.s32 @!p1 $0x0  }
0x14: {  	s2 =	sld [smem:$0x3F98];
	s0 =	simm.s32 @p1 $0x1  }
0x15: {  	[smem:$0x3FB5] =	sst s0;
	s0 =	simm.s32 @!p2 $0x0  }
0x16: {  	s3 =	sld [smem:$0x3FDB];
	s0 =	simm.s32 @p2 $0x1  }
0x17: {  	s4 =	simm.s32 $0x1BF5;
	[smem:$0x3FB7] =	sst s0  }
0x18: {  	s0 =	sld [smem:$0x3F9A];
	_ =	swait.ge [sflag:s4], $0x0  }
0x19: {  	s7 =	sld [smem:$0x3F9B]  }
0x1a: {  	s8 =	sadd.s32 $0xFFFFE003, lr  }
0x1b: {  	s9 =	sadd.s32 $0xFFFFFEF7, lr;
	s5 =	simm.s32 $0xFFFFFFFF;
	p2 =	slt.u32 s8, $0xFFFFF086  }
0x1c: {  	p1 =	slt.u32 s9, $0xF7A;
	s5 =	simm.s32 @!p2 $0x0  }
0x1d: {  	s5 =	simm.s32 @p1 $0x1;
	p0 =	seq.s32 s7, s2  }
0x1e: {  	s7 =	smul.u32 @!p0 $0xF7A, s2;
	p2 =	seq.s32 @!p0 s5, $0x0  }
0x1f: {  	s9 =	smul.u32 $0xF7A, s1;
	s8 =	simm.s32 @!p0 $0x1BF5;
	p2 =	por !p2, p0  }
0x20: {  	[sflag:s8] =	ssyncset.s32 @!p0 $0xFFFFF086;
	s6 =	sadd.s32 @!p0 s3, s7;
	s7 =	simm.s32 @!p0 $0x108  }
0x21: {  	s3 =	sadd.s32 s3, s9;
	s6 =	sadd.s32 @!p0 $0x88, s6;
	s7 =	simm.s32 @p2 $0x1082  }
0x22: {  	[simem:s7], [sflag:s8] =	dma.local @!p0 [hbm:s6], $0xF7A  }
0x23: {  	s9 =	sor.u32 $0xD0000000, s2;
	s6 =	simm.s32 $0x108;
	_ =	swait.ge @!p0 [sflag:s8], $0x0  }
0x24: {  	s3 =	sadd.s32 $0x88, s3;
	s6 =	simm.s32 @!p1 $0x1082;
	[sflag:s4] =	ssyncset.s32 $0xFFFFF086  }
0x25: {  	[simem:s6], [sflag:s4] =	dma.local [hbm:s3], $0xF7A  }
0x26: {  	[smem:$0x3F9B] =	sst s1;
	(tag) =	ssettag s2;
	_ =	strace s9  }
0x27: {  	s1 =	sld [smem:$0x3FAB]  }
0x28: {  	s2 =	sld [smem:$0x3FAC]  }
0x29: {  	s4 =	sld [smem:$0x3FAE]  }
0x2a: {  	p0 =	seq.s32 s5, $0x0;
	s5 =	sld [smem:$0x3FAF]  }
0x2b: {  	s6 =	sld [smem:$0x3FB0]  }
0x2c: {  	s7 =	sld [smem:$0x3FB1]  }
0x2d: {  	s3 =	simm.s32 $0x108;
	s8 =	sld [smem:$0x3FB2]  }
0x2e: {  	s3 =	simm.s32 @!p0 $0x1082;
	s9 =	sld [smem:$0x3FB3]  }
0x2f: {  	lr =	sadd.s32 s0, s3;
	s0 =	sld [smem:$0x3FAA]  }
0x30: {  	s3 =	sld [smem:$0x3FAD]  }
0x31: {  	[smem:$0x3FB6] =	sst s10  }
0x32: {  	s10 =	sld [smem:$0x3FB4];
	_ =	sdelay $0x3  }
0x33: {  	p0 =	seq.s32 s10, $0x1;
	s10 =	sld [smem:$0x3FB6];
	_ =	sdelay $0x3  }
0x34: {  	[smem:$0x3FB6] =	sst s10  }
0x35: {  	s10 =	sld [smem:$0x3FB5];
	_ =	sdelay $0x3  }
0x36: {  	p1 =	seq.s32 s10, $0x1;
	s10 =	sld [smem:$0x3FB6];
	_ =	sdelay $0x3  }
0x37: {  	[smem:$0x3FB6] =	sst s10  }
0x38: {  	s10 =	sld [smem:$0x3FB7]  }
0x39: {  	_ = 	snop;
	(pc) =	sbr.ind lr, $3  }
0x3a: {  	_ = 	snop  }
0x3b: {  	_ = 	snop  }
0x3c: {  	p2 =	seq.s32 s10, $0x1;
	s10 =	sld [smem:$0x3FB6]  }
0x3d: {  	_ =	shalt  }
0x3e: {  	_ =	shalt  }
0x3f: {  	_ =	shalt  }
0x40: {  	_ =	shalt  }
0x41: {  	_ =	shalt  }
0x42: {  	_ =	shalt  }
0x43: {  	_ =	shalt  }
0x44: {  	_ =	shalt  }
0x45: {  	_ =	shalt  }
0x46: {  	_ =	shalt  }
0x47: {  	_ =	shalt  }
0x48: {  	_ =	shalt  }
0x49: {  	_ =	shalt  }
0x4a: {  	_ =	shalt  }
0x4b: {  	_ =	shalt  }
0x4c: {  	_ =	shalt  }
0x4d: {  	_ =	shalt  }
0x4e: {  	_ =	shalt  }
0x4f: {  	_ =	shalt  }
0x50: {  	_ =	shalt  }
0x51: {  	_ =	shalt  }
0x52: {  	_ =	shalt  }
0x53: {  	_ =	shalt  }
0x54: {  	_ =	shalt  }
0x55: {  	_ =	shalt  }
0x56: {  	_ =	shalt  }
0x57: {  	_ =	shalt  }
0x58: {  	_ =	shalt  }
0x59: {  	_ =	shalt  }
0x5a: {  	_ =	shalt  }
0x5b: {  	_ =	shalt  }
0x5c: {  	_ =	shalt  }
0x5d: {  	_ =	shalt  }
0x5e: {  	_ =	shalt  }
0x5f: {  	_ =	shalt  }
0x60: {  	_ =	shalt  }
0x61: {  	_ =	shalt  }
0x62: {  	_ =	shalt  }
0x63: {  	_ =	shalt  }
0x64: {  	_ =	shalt  }
0x65: {  	_ =	shalt  }
0x66: {  	_ =	shalt  }
0x67: {  	_ =	shalt  }
0x68: {  	_ =	shalt  }
0x69: {  	_ =	shalt  }
0x6a: {  	_ =	shalt  }
0x6b: {  	_ =	shalt  }
0x6c: {  	_ =	shalt  }
0x6d: {  	_ =	shalt  }
0x6e: {  	_ =	shalt  }
0x6f: {  	_ =	shalt  }
0x70: {  	_ =	shalt  }
0x71: {  	_ =	shalt  }
0x72: {  	_ =	shalt  }
0x73: {  	_ =	shalt  }
0x74: {  	_ =	shalt  }
0x75: {  	_ =	shalt  }
0x76: {  	_ =	shalt  }
0x77: {  	_ =	shalt  }
0x78: {  	_ =	shalt  }
0x79: {  	_ =	shalt  }
0x7a: {  	_ =	shalt  }
0x7b: {  	_ =	shalt  }
0x7c: {  	_ =	shalt  }
0x7d: {  	_ =	shalt  }
0x7e: {  	_ =	shalt  }
0x7f: {  	_ =	shalt  }
0x80: {  	_ =	shalt  }
0x81: {  	_ =	shalt  }
0x82: {  	_ =	shalt  }
0x83: {  	_ =	shalt  }
0x84: {  	_ =	shalt  }
0x85: {  	_ =	shalt  }
0x86: {  	_ =	shalt  }
0x87: {  	_ =	shalt  }
.Lfunc_end0:
.L_simem_size_0:
called_computation.1_lowered:
.L_overlay_start_0:
0x88: {  	s2 =	sld [smem:$0x3FD9]  }
0x89: {  	s3 =	sld [smem:$0x3FFE];
	_ =	sdelay $0x1  }
0x8a: {  	s1 =	srdreg.scid  }
0x8b: {  	s0 =	sand.u32 $0x1, s1  }
0x8c: {  	s17 =	sshll.u32 s0, $0xA;
	s2 =	sadd.s32 s3, s2  }
0x8d: {  	s2 =	sadd.s32 s2, s17  }
0x8e: {  	[smem:$0x3FC2] =	sst s2  }
0x8f: {  	_ = 	snop  }
0x90: {  	s2 =	sld [smem:$0x3FD0];
	(tm) =	ssettm $0x1  }
0x91: {  	s18 =	sld [smem:$0x3FFB];
	_ =	sdelay $0x3  }
0x92: {  	_ =	strace s18  }
0x93: {  	s3 =	sld [smem:$0x3FFC];
	_ =	sdelay $0x3  }
0x94: {  	_ =	strace s3  }
0x95: {  	s3 =	sld [smem:$0x3FFD];
	_ =	sdelay $0x3  }
0x96: {  	_ =	strace s3  }
0x97: {  	_ =	strace $0x8FFFFFFF  }
0x98: {  	s19 =	sld [smem:$0x3FDB];
	_ =	sdelay $0x1  }
0x99: {  	s4 =	simm.s32 $_scs_section_size  }
0x9a: {  	s5 =	simm.s32 $_size__tile_overlayer_lowered;
	s6 =	simm.s32 $_tile_overlayer_lowered  }
0x9b: {  	s22 =	simm.s32 $0x1BFF;
	s21 =	sshll.u32 s6, $0x1;
	s3 =	sadd.s32 s4, s19  }
0x9c: {  	s7 =	simm.s32 $0x0;
	s20 =	sshll.u32 s5, $0x1;
	s5 =	sadd.s32 s21, s3  }
0x9d: {  	[timem:s7], [sflag:s22] =	dma.local [hbm:s5], s20  }
0x9e: {  	_ =	swait.ge [sflag:s22], s20  }
0x9f: {  	s4 =	ssub.s32 $0x0, s20;
	[sflag:s22] =	ssyncset.done $0x0  }
0xa0: {  	[sflag:s22] =	ssyncadd.s32 s4;
	_ =	sdelay $0x1  }
0xa1: {  	s23 =	simm.s32 $0x1B8B  }
0xa2: {  	_ =	swait.ge [sflag:s23], $0x1  }
0xa3: {  	[sflag:s23] =	ssyncset.done $0x0  }
0xa4: {  	s25 =	simm.s32 $0x1B8E;
	s24 =	sld [smem:$0x3FFE];
	[sflag:s23] =	ssyncadd.s32 $0xFFFFFFFF  }
0xa5: {  	s26 =	simm.s32 $execute0_lowered;
	[smem:$0x3FD2] =	sst s25  }
0xa6: {  	s5 =	sshll.u32 s26, $0x1;
	_ =	strace $0x80000049;
	[dreg:$0x1] =	wrdreg $0xFFFFFFFF  }
0xa7: {  	s28 =	simm.s32 $_size_execute0_lowered;
	s3 =	sadd.s32 s3, s5;
	[dreg:$0x0] =	wrdreg $0x0  }
0xa8: {  	s5 =	sshll.u32 s28, $0x1;
	[dreg:$0x2] =	wrdreg s3  }
0xa9: {  	[dreg:$0x3] =	wrdreg s5  }
0xaa: {  	[dreg:$0x4] =	wrdreg $0xC0  }
0xab: {  	_ =	task [dreg:s7], $0x5FFFF  }
0xac: {  	[dreg:$0x1] =	wrdreg $0xFFFFFFFF  }
0xad: {  	[dreg:$0x0] =	wrdreg $0x60  }
0xae: {  	[dreg:$0x2] =	wrdreg s24  }
0xaf: {  	[dreg:$0x3] =	wrdreg s2  }
0xb0: {  	[dreg:$0x4] =	wrdreg $0xA8800  }
0xb1: {  	[dreg:$0x5] =	wrdreg $0x9  }
0xb2: {  	_ =	task.clear_ibuf [dreg:s7], $0x6FFFF;
	_ =	strace $0x90000049  }
0xb3: {  	s29 =	simm.s32 $0x9;
	_ =	strace $0x8000004B  }
0xb4: {  	_ =	swait.ge [sflag:s29], $0x1  }
0xb5: {  	[sflag:s29] =	ssyncadd.s32 $0xFFFFFFFF  }
0xb6: {  	_ =	strace $0x9000004B  }
0xb7: {  	_ =	sfence  }
0xb8: {  	s30 =	sld [smem:$0x0];
	_ =	sdelay $0x2  }
0xb9: {  	s31 =	sshll.u32 s1, $0xD;
	s1 =	sshrl.u32 s1, $0x2  }
0xba: {  	s3 =	sand.u32 $0x4000, s31;
	s1 =	sadd.s32 s1, s30  }
0xbb: {  	s0 =	sor.u32 s3, s0;
	s1 =	sshll.u32 s1, $0x11  }
0xbc: {  	s0 =	sor.u32 s1, s0  }
0xbd: {  	s0 =	sadd.s32 $0x8F2B, s0  }
0xbe: {  	[sflag:s0] =	ssyncadd.remote.s32 $0x1  }
0xbf: {  	_ =	sfence.sel $0xFFFF  }
0xc0: {  	[dreg:$0x0] =	wrdreg $0xFFFFFFFF;
	(pc) =	sbr.abs _section_cstart, $3  }
0xc1: {  	[dreg:$0x1] =	wrdreg $0xFFFFFFFF  }
0xc2: {  	_ =	task.clear_ibuf [dreg:s7], $0x2FFFF;
	_ =	strace $0x9FFFFFFF  }
0xc3: {  	(tm) =	ssettm $0x7FFFFFFF  }
tec
execute0_lowered:
.L_overlay_start_1:
0x0: {  	(tag) =	ssettag $0x1  }
0x1: {  	s0 =	rddreg [dreg:$0x0]  }
0x2: {  	s2 =	rddreg [dreg:$0x1]  }
0x3: {  	s1 =	rddreg [dreg:$0x2]  }
0x4: {  	s3 =	srdreg.scid;
	s15 =	stileid.u32  }
0x5: {  	s29 =	simm.s32 $0x2880;
	s30 =	simm.s32 $0x5;
	s31 =	simm.s32 $0x2780  }
0x6: {  	s7 =	sand.u32 $0x1, s3;
	s3 =	simm.s32 $0x0;
	s10 =	smul.u32 $0x50000, s15  }
0x7: {  	s5 =	sadd.s32 $0x1C00, s0;
	s25 =	sshll.u32 s15, $0x4;
	s26 =	smul.u32 $0x14000, s15  }
0x8: {  	s4 =	sshll.u32 s7, $0x4;
	[smem:$0x7FF] =	sst s3;
	s16 =	smul.u32 $0x140000, s7  }
0x9: {  	s9 =	ssub.s32 $0x2, s7;
	s7 =	smul.u32 $0x27000, s7;
	s8 =	sor.u32 s15, s4  }
0xa: {  	_ =	strace $0x8000004A;
	s4 =	sadd.s32 $0xBA00, s0;
	s0 =	sadd.s32 $0x33A00, s0  }
0xb: {  	s11 =	sshrl.u32 s9, $0x1;
	s10 =	sshrl.u32 s10, $0x2;
	s17 =	sadd.s32 $0x4000, s26  }
0xc: {  	s13 =	sadd.s32 $0x8000, s26;
	s22 =	sadd.s32 $0xC000, s26;
	s6 =	smul.u32 $0x2700, s8  }
0xd: {  	s9 =	ssub.s32 s9, s11;
	s18 =	sadd.s32 s16, s26;
	s19 =	sadd.s32 s16, s17  }
0xe: {  	s14 =	sadd.s32 s16, s13;
	s11 =	sadd.s32 $0x10000, s26;
	p0 =	sgt.u32 s8, $0x3  }
0xf: {  	s8 =	simm.s32 $0x0;
	s9 =	smax.u32 s9, $0x1;
	s21 =	sshrl.u32 s14, $0x3  }
0x10: {  	s23 =	sshrl.u32 s6, $0x3;
	s6 =	sadd.s32 s10, s1;
	s10 =	sor.u32 $0x9C00, s25  }
0x11: {  	[dreg:$0x9] =	wrdreg s9;
	s9 =	simm.s32 $0x1;
	s24 =	sadd.s32 s2, s23  }
0x12: {  	s12 =	sadd.s32 s5, s23;
	s2 =	sadd.s32 s2, s10;
	[dreg:$0x4] =	wrdreg s24  }
0x13: {  	s10 =	sadd.s32 s5, s10;
	s23 =	sadd.s32 s16, s22;
	[dreg:$0x5] =	wrdreg s12  }
0x14: {  	s22 =	sadd.s32 s22, s1;
	s28 =	sadd.s32 $0x10000, s6;
	[dreg:$0x7] =	wrdreg s2  }
0x15: {  	s12 =	sadd.s32 $0x10, s12;
	[dreg:$0x8] =	wrdreg s10;
	s10 =	sshrl.u32 s18, $0x3  }
0x16: {  	s2 =	sadd.s32 s16, s11;
	s24 =	smul.u32 $0x2700, s15;
	s18 =	sadd.s32 $0x4000, s6  }
0x17: {  	[dreg:$0x6] =	wrdreg s12;
	s12 =	sshrl.u32 s19, $0x3;
	s10 =	sadd.s32 s0, s10  }
0x18: {  	s2 =	sshrl.u32 s2, $0x3;
	s19 =	sadd.s32 $0x8000, s6;
	[dreg:$0xa] =	wrdreg s10  }
0x19: {  	s20 =	sadd.s32 s0, s12;
	s10 =	sadd.s32 s0, s21;
	s12 =	sshrl.u32 s23, $0x3  }
0x1a: {  	s25 =	sadd.s32 s24, s7;
	s21 =	sadd.s32 s13, s1;
	s23 =	sadd.s32 s11, s1  }
0x1b: {  	s7 =	simm.s32 $0x6880;
	s11 =	simm.s32 $0x2;
	[dreg:$0xb] =	wrdreg s20  }
0x1c: {  	[dreg:$0xc] =	wrdreg s10;
	s12 =	sadd.s32 s0, s12;
	s0 =	sadd.s32 s0, s2  }
0x1d: {  	s20 =	sadd.s32 s17, s1;
	s26 =	sadd.s32 $0x180, s25;
	[dreg:$0xd] =	wrdreg s12  }
0x1e: {  	s24 =	sadd.s32 $0x100, s25;
	s10 =	simm.s32 $0x3;
	[dreg:$0xe] =	wrdreg s0  }
0x1f: {  	s2 =	sshrl.u32 s26, $0x3;
	s26 =	sadd.s32 $0xC000, s6;
	s0 =	simm.s32 $0x80  }
0x20: {  	v0 =	vimm.f32 $0.0e+00;
	s12 =	simm.s32 $0x4;
	s25 =	sadd.s32 s2, s5;
	s2 =	simm.s32 $0x2800  }
.LBB2_1:
0x21: {  	s13 =	simm.s32 $0x0;
	s14 =	simm.s32 $0x200  }
.LBB2_2:
0x22: {  	p1 =	sne.s32 s14, $0xFE00;
	[tilespmem:s13+$0x28F0] =	vst v0  }
0x23: {  	[tilespmem:s13+$0x2880] =	vst v0  }
0x24: {  	[tilespmem:s13+$0x2890] =	vst v0  }
.Ltmp0:
0x25: {  	[tilespmem:s13+$0x28A0] =	vst v0;
	(pc) =	sbr.rel @p1 .LBB2_2-.Ltmp0, $4  }
0x26: {  	[tilespmem:s13+$0x28B0] =	vst v0  }
0x27: {  	[tilespmem:s13+$0x28C0] =	vst v0  }
0x28: {  	[tilespmem:s13+$0x28D0] =	vst v0  }
0x29: {  	[tilespmem:s13+$0x28E0] =	vst v0;
	s13 =	sshra.s32 s14, $0x2;
	s14 =	sadd.s32 $0x200, s14  }
0x2a: {  	[tilespmem:s13+$0x28F0] =	vst v0  }
0x2b: {  	[tilespmem:s13+$0x2880] =	vst v0  }
0x2c: {  	[tilespmem:s13+$0x2890] =	vst v0  }
0x2d: {  	[tilespmem:s13+$0x28A0] =	vst v0  }
0x2e: {  	[tilespmem:s13+$0x28B0] =	vst v0  }
0x2f: {  	[tilespmem:s13+$0x28C0] =	vst v0  }
0x30: {  	[tilespmem:s13+$0x28D0] =	vst v0  }
0x31: {  	[tilespmem:s13+$0x28E0] =	vst v0  }
0x32: {  	[spmem:s6] =	stream.linear.scatter [tilespmem:s29], [sflag:$0x5], $0x4000, $0x38;
	[tilespmem:$0x1E880] =	vst v63  }
0x33: {  	_ =	swait.ge [sflag:s30], $0x4000  }
0x34: {  	[sflag:s30] =	ssyncset.done $0x0  }
0x35: {  	[sflag:s30] =	ssyncadd.s32 $0xFFFFC000  }
0x36: {  	[spmem:s18] =	stream.linear.scatter [tilespmem:s29], [sflag:$0x5], $0x4000, $0x38;
	[tilespmem:$0x1E880] =	vst v63  }
0x37: {  	_ =	swait.ge [sflag:s30], $0x4000  }
0x38: {  	[sflag:s30] =	ssyncset.done $0x0  }
0x39: {  	[sflag:s30] =	ssyncadd.s32 $0xFFFFC000  }
0x3a: {  	[spmem:s19] =	stream.linear.scatter [tilespmem:s29], [sflag:$0x5], $0x4000, $0x38;
	[tilespmem:$0x1E880] =	vst v63  }
0x3b: {  	_ =	swait.ge [sflag:s30], $0x4000  }
0x3c: {  	[sflag:s30] =	ssyncset.done $0x0  }
0x3d: {  	[sflag:s30] =	ssyncadd.s32 $0xFFFFC000  }
0x3e: {  	[spmem:s26] =	stream.linear.scatter [tilespmem:s29], [sflag:$0x5], $0x4000, $0x38;
	[tilespmem:$0x1E880] =	vst v63  }
0x3f: {  	_ =	swait.ge [sflag:s30], $0x4000  }
0x40: {  	[sflag:s30] =	ssyncset.done $0x0  }
0x41: {  	[sflag:s30] =	ssyncadd.s32 $0xFFFFC000  }
0x42: {  	[spmem:s28] =	stream.linear.scatter [tilespmem:s29], [sflag:$0x5], $0x4000, $0x38;
	[tilespmem:$0x1E880] =	vst v63  }
0x43: {  	_ =	swait.ge [sflag:s30], $0x4000  }
0x44: {  	[sflag:s30] =	ssyncset.done $0x0  }
0x45: {  	[sflag:s30] =	ssyncadd.s32 $0xFFFFC000  }
0x46: {  	[bflag:$0x0] =	sbarrier.arrive $0xFFFF  }
0x47: {  	s15 =	simm.s32 $0x0;
	s14 =	rddreg [dreg:$0x4]  }
0x48: {  	[tilespmem:s15], [sflag:$0x5] =	stream.linear.gather [hbm4b:s14+s15], $0x2700, $0x38;
	[tilespmem:$0x1E880] =	vst v63  }
0x49: {  	_ =	swait.ge [sflag:s30], $0x2700  }
0x4a: {  	[sflag:s30] =	ssyncset.done $0x0  }
0x4b: {  	s16 =	rddreg [dreg:$0x5];
	[sflag:s30] =	ssyncadd.s32 $0xFFFFD900  }
0x4c: {  	[tilespmem:s31], [sflag:$0x3] =	stream.linear.gather [hbm4b:s16+s15], $0x80, $0x38;
	[tilespmem:$0x1E880] =	vst v63  }
0x4d: {  	_ = 	snop  }
0x4e: {  	[tilespmem:s29], [sflag:$0x1] =	stream.indirect.gather [hbm4b:s4+s0], $0x80, s15, s0, $0xb8;
	[tilespmem:$0x1E880] =	vst v63  }
0x4f: {  	s17 =	rddreg [dreg:$0x6]  }
0x50: {  	[tilespmem:s2], [sflag:$0x4] =	stream.linear.gather [hbm4b:s17+s15], $0x80, $0x38;
	[tilespmem:$0x1E880] =	vst v63  }
0x51: {  	_ = 	snop  }
0x52: {  	[tilespmem:s7], [sflag:$0x2] =	stream.indirect.gather [hbm4b:s4+s0], $0x80, s0, s0, $0xb8;
	[tilespmem:$0x1E880] =	vst v63  }
0x53: {  	_ =	swait.ge [sflag:s9], $0x4000  }
0x54: {  	[sflag:s9] =	ssyncset.done $0x0  }
0x55: {  	[sflag:s9] =	ssyncadd.s32 $0xFFFFC000  }
0x56: {  	_ =	swait.ge [sflag:s10], $0x80  }
0x57: {  	[sflag:s10] =	ssyncset.done $0x0  }
0x58: {  	[sflag:s10] =	ssyncadd.s32 $0xFFFFFF80  }
0x59: {  	[spmem:s1] =	stream.indirect.scatter.add.f32 [tilespmem:s29], [sflag:$0x5], $0x80, s31, s0, $0xb8;
	[tilespmem:$0x1E880] =	vst v63  }
0x5a: {  	_ =	swait.ge [sflag:s30], $0x4000  }
0x5b: {  	s15 =	sshrl.u32 s24, $0x3;
	[sflag:s30] =	ssyncset.done $0x0  }
0x5c: {  	s13 =	sadd.s32 s5, s15;
	[sflag:s30] =	ssyncadd.s32 $0xFFFFC000  }
0x5d: {  	[tilespmem:s31], [sflag:$0x3] =	stream.linear.gather [hbm4b:s13+s3], $0x80, $0x38;
	[tilespmem:$0x1E880] =	vst v63  }
0x5e: {  	s16 =	simm.s32 $0x100  }
0x5f: {  	[tilespmem:s29], [sflag:$0x1] =	stream.indirect.gather [hbm4b:s4+s0], $0x80, s16, s0, $0xb8;
	[tilespmem:$0x1E880] =	vst v63  }
0x60: {  	_ =	swait.ge [sflag:s11], $0x4000  }
0x61: {  	[sflag:s11] =	ssyncset.done $0x0  }
0x62: {  	[sflag:s11] =	ssyncadd.s32 $0xFFFFC000  }
0x63: {  	_ =	swait.ge [sflag:s12], $0x80  }
0x64: {  	[sflag:s12] =	ssyncset.done $0x0  }
0x65: {  	[sflag:s12] =	ssyncadd.s32 $0xFFFFFF80  }
0x66: {  	[spmem:s1] =	stream.indirect.scatter.add.f32 [tilespmem:s7], [sflag:$0x5], $0x80, s2, s0, $0xb8;
	[tilespmem:$0x1E880] =	vst v63  }
0x67: {  	s14 =	sadd.s32 $0x100, s24;
	_ =	swait.ge [sflag:s30], $0x4000  }
0x68: {  	s17 =	sadd.s32 $0x0, s25;
	s15 =	simm.s32 $0x200;
	[sflag:s30] =	ssyncset.done $0x0  }
0x69: {  	s13 =	simm.s32 $0x20;
	s16 =	simm.s32 $0x180;
	[sflag:s30] =	ssyncadd.s32 $0xFFFFC000  }
0x6a: {  	[tilespmem:s2], [sflag:$0x4] =	stream.linear.gather [hbm4b:s17+s3], $0x80, $0x38;
	[tilespmem:$0x1E880] =	vst v63  }
.LBB2_4:
0x6b: {  	[tilespmem:s7], [sflag:$0x2] =	stream.indirect.gather [hbm4b:s4+s0], $0x80, s16, s0, $0xb8;
	[tilespmem:$0x1E880] =	vst v63  }
0x6c: {  	s16 =	smov.u32 s13  }
0x6d: {  	p1 =	sne.s32 s13, $0x4A0;
	s13 =	sadd.s32 $0x20, s13;
	_ =	swait.ge [sflag:s9], $0x4000  }
0x6e: {  	[sflag:s9] =	ssyncset.done $0x0  }
0x6f: {  	[sflag:s9] =	ssyncadd.s32 $0xFFFFC000  }
0x70: {  	_ =	swait.ge [sflag:s10], $0x80  }
0x71: {  	[sflag:s10] =	ssyncset.done $0x0  }
0x72: {  	[sflag:s10] =	ssyncadd.s32 $0xFFFFFF80  }
0x73: {  	[spmem:s1] =	stream.indirect.scatter.add.f32 [tilespmem:s29], [sflag:$0x5], $0x80, s31, s0, $0xb8;
	[tilespmem:$0x1E880] =	vst v63  }
0x74: {  	_ =	swait.ge [sflag:s30], $0x4000  }
0x75: {  	s17 =	sshrl.u32 s14, $0x3;
	[sflag:s30] =	ssyncset.done $0x0  }
0x76: {  	s17 =	sadd.s32 s5, s17;
	[sflag:s30] =	ssyncadd.s32 $0xFFFFC000  }
0x77: {  	[tilespmem:s31], [sflag:$0x3] =	stream.linear.gather [hbm4b:s17+s3], $0x80, $0x38;
	[tilespmem:$0x1E880] =	vst v63  }
0x78: {  	_ = 	snop  }
0x79: {  	[tilespmem:s29], [sflag:$0x1] =	stream.indirect.gather [hbm4b:s4+s0], $0x80, s15, s0, $0xb8;
	[tilespmem:$0x1E880] =	vst v63  }
0x7a: {  	_ =	swait.ge [sflag:s11], $0x4000  }
0x7b: {  	[sflag:s11] =	ssyncset.done $0x0  }
0x7c: {  	[sflag:s11] =	ssyncadd.s32 $0xFFFFC000  }
0x7d: {  	_ =	swait.ge [sflag:s12], $0x80  }
0x7e: {  	[sflag:s12] =	ssyncset.done $0x0  }
0x7f: {  	[sflag:s12] =	ssyncadd.s32 $0xFFFFFF80  }
0x80: {  	[spmem:s1] =	stream.indirect.scatter.add.f32 [tilespmem:s7], [sflag:$0x5], $0x80, s2, s0, $0xb8;
	[tilespmem:$0x1E880] =	vst v63  }
.Ltmp1:
0x81: {  	_ =	swait.ge [sflag:s30], $0x4000;
	(pc) =	sbr.rel @p1 .LBB2_4-.Ltmp1, $4  }
0x82: {  	[sflag:s30] =	ssyncset.done $0x0  }
0x83: {  	s16 =	sadd.s32 s16, s25;
	[sflag:s30] =	ssyncadd.s32 $0xFFFFC000  }
0x84: {  	[tilespmem:s2], [sflag:$0x4] =	stream.linear.gather [hbm4b:s16+s3], $0x80, $0x38;
	[tilespmem:$0x1E880] =	vst v63  }
0x85: {  	s14 =	sadd.s32 $0x100, s14;
	s16 =	sadd.s32 $0x80, s15;
	s15 =	sadd.s32 $0x100, s15  }
0x86: {  	[tilespmem:s7], [sflag:$0x2] =	stream.indirect.gather [hbm4b:s4+s0], $0x80, s16, s0, $0xb8;
	[tilespmem:$0x1E880] =	vst v63  }
0x87: {  	_ =	swait.ge [sflag:s9], $0x4000  }
0x88: {  	[sflag:s9] =	ssyncset.done $0x0  }
0x89: {  	[sflag:s9] =	ssyncadd.s32 $0xFFFFC000  }
0x8a: {  	_ =	swait.ge [sflag:s10], $0x80  }
0x8b: {  	[sflag:s10] =	ssyncset.done $0x0  }
0x8c: {  	[sflag:s10] =	ssyncadd.s32 $0xFFFFFF80  }
0x8d: {  	[spmem:s1] =	stream.indirect.scatter.add.f32 [tilespmem:s29], [sflag:$0x5], $0x80, s31, s0, $0xb8;
	[tilespmem:$0x1E880] =	vst v63  }
0x8e: {  	_ =	swait.ge [sflag:s30], $0x4000  }
0x8f: {  	[sflag:s30] =	ssyncset.done $0x0  }
0x90: {  	[sflag:s30] =	ssyncadd.s32 $0xFFFFC000  }
0x91: {  	_ =	swait.ge [sflag:s11], $0x4000  }
0x92: {  	[sflag:s11] =	ssyncset.done $0x0  }
0x93: {  	[sflag:s11] =	ssyncadd.s32 $0xFFFFC000  }
0x94: {  	_ =	swait.ge [sflag:s12], $0x80  }
0x95: {  	[sflag:s12] =	ssyncset.done $0x0  }
0x96: {  	[sflag:s12] =	ssyncadd.s32 $0xFFFFFF80  }
0x97: {  	[spmem:s1] =	stream.indirect.scatter.add.f32 [tilespmem:s7], [sflag:$0x5], $0x80, s2, s0, $0xb8;
	[tilespmem:$0x1E880] =	vst v63  }
0x98: {  	_ =	swait.ge [sflag:s30], $0x4000  }
0x99: {  	s13 =	simm.s32 @!p0 $0x0;
	[sflag:s30] =	ssyncset.done $0x0  }
0x9a: {  	s14 =	simm.s32 @!p0 $0x2700;
	s15 =	rddreg [dreg:$0x7];
	[sflag:s30] =	ssyncadd.s32 $0xFFFFC000  }
0x9b: {  	[tilespmem:s14], [sflag:$0x5] =	stream.linear.gather @!p0 [hbm4b:s15+s13], $0x80, $0x38;
	[tilespmem:$0x1E880] =	vst v63  }
0x9c: {  	s15 =	simm.s32 @!p0 $0x5  }
0x9d: {  	_ =	swait.ge @!p0 [sflag:s15], $0x80  }
0x9e: {  	[sflag:s15] =	ssyncset.done @!p0 $0x0  }
0x9f: {  	s16 =	simm.s32 @!p0 $0x2780;
	s17 =	rddreg [dreg:$0x8];
	[sflag:s15] =	ssyncadd.s32 @!p0 $0xFFFFFF80  }
0xa0: {  	[tilespmem:s16], [sflag:$0x5] =	stream.linear.gather @!p0 [hbm4b:s17+s13], $0x80, $0x38;
	[tilespmem:$0x1E880] =	vst v63  }
0xa1: {  	_ =	swait.ge @!p0 [sflag:s15], $0x80  }
0xa2: {  	[sflag:s15] =	ssyncset.done @!p0 $0x0  }
0xa3: {  	s13 =	simm.s32 @!p0 $0x80;
	s17 =	simm.s32 @!p0 $0x2880;
	[sflag:s15] =	ssyncadd.s32 @!p0 $0xFFFFFF80  }
0xa4: {  	[tilespmem:s17], [sflag:$0x1] =	stream.indirect.gather @!p0 [hbm4b:s4+s13], $0x80, s14, s13, $0xb8;
	[tilespmem:$0x1E880] =	vst v63  }
0xa5: {  	s14 =	simm.s32 @!p0 $0x1  }
0xa6: {  	_ =	swait.ge @!p0 [sflag:s14], $0x4000  }
0xa7: {  	[sflag:s14] =	ssyncset.done @!p0 $0x0  }
0xa8: {  	[sflag:s14] =	ssyncadd.s32 @!p0 $0xFFFFC000  }
0xa9: {  	[spmem:s1] =	stream.indirect.scatter.add.f32 @!p0 [tilespmem:s17], [sflag:$0x5], $0x80, s16, s13, $0xb8;
	[tilespmem:$0x1E880] =	vst v63  }
0xaa: {  	_ =	swait.ge @!p0 [sflag:s15], $0x4000  }
0xab: {  	[sflag:s15] =	ssyncset.done @!p0 $0x0  }
0xac: {  	[sflag:s15] =	ssyncadd.s32 @!p0 $0xFFFFC000  }
0xad: {  	[bflag:$0x0] =	sbarrier.arrive $0xFFFF  }
0xae: {  	[tilespmem:s29], [sflag:$0x5] =	stream.linear.gather [spmem:s6], $0x4000, $0x38;
	[tilespmem:$0x1E880] =	vst v63  }
0xaf: {  	_ =	swait.ge [sflag:s30], $0x4000  }
0xb0: {  	[sflag:s30] =	ssyncset.done $0x0  }
0xb1: {  	s16 =	rddreg [dreg:$0xa];
	[sflag:s30] =	ssyncadd.s32 $0xFFFFC000  }
0xb2: {  	[hbm4b:s16+s3] =	stream.linear.scatter [tilespmem:s29], [sflag:$0x5], $0x4000, $0x38;
	[tilespmem:$0x1E880] =	vst v63  }
0xb3: {  	_ =	swait.ge [sflag:s30], $0x4000  }
0xb4: {  	[sflag:s30] =	ssyncset.done $0x0  }
0xb5: {  	[sflag:s30] =	ssyncadd.s32 $0xFFFFC000  }
0xb6: {  	[tilespmem:s29], [sflag:$0x5] =	stream.linear.gather [spmem:s20], $0x4000, $0x38;
	[tilespmem:$0x1E880] =	vst v63  }
0xb7: {  	_ =	swait.ge [sflag:s30], $0x4000  }
0xb8: {  	[sflag:s30] =	ssyncset.done $0x0  }
0xb9: {  	s17 =	rddreg [dreg:$0xb];
	[sflag:s30] =	ssyncadd.s32 $0xFFFFC000  }
0xba: {  	[hbm4b:s17+s3] =	stream.linear.scatter [tilespmem:s29], [sflag:$0x5], $0x4000, $0x38;
	[tilespmem:$0x1E880] =	vst v63  }
0xbb: {  	_ =	swait.ge [sflag:s30], $0x4000  }
0xbc: {  	[sflag:s30] =	ssyncset.done $0x0  }
0xbd: {  	[sflag:s30] =	ssyncadd.s32 $0xFFFFC000  }
0xbe: {  	[tilespmem:s29], [sflag:$0x5] =	stream.linear.gather [spmem:s21], $0x4000, $0x38;
	[tilespmem:$0x1E880] =	vst v63  }
0xbf: {  	_ =	swait.ge [sflag:s30], $0x4000  }
0xc0: {  	[sflag:s30] =	ssyncset.done $0x0  }
0xc1: {  	s14 =	rddreg [dreg:$0xc];
	[sflag:s30] =	ssyncadd.s32 $0xFFFFC000  }
0xc2: {  	[hbm4b:s14+s3] =	stream.linear.scatter [tilespmem:s29], [sflag:$0x5], $0x4000, $0x38;
	[tilespmem:$0x1E880] =	vst v63  }
0xc3: {  	_ =	swait.ge [sflag:s30], $0x4000  }
0xc4: {  	[sflag:s30] =	ssyncset.done $0x0  }
0xc5: {  	[sflag:s30] =	ssyncadd.s32 $0xFFFFC000  }
0xc6: {  	[tilespmem:s29], [sflag:$0x5] =	stream.linear.gather [spmem:s22], $0x4000, $0x38;
	[tilespmem:$0x1E880] =	vst v63  }
0xc7: {  	_ =	swait.ge [sflag:s30], $0x4000  }
0xc8: {  	[sflag:s30] =	ssyncset.done $0x0  }
0xc9: {  	s15 =	rddreg [dreg:$0xd];
	[sflag:s30] =	ssyncadd.s32 $0xFFFFC000  }
0xca: {  	[hbm4b:s15+s3] =	stream.linear.scatter [tilespmem:s29], [sflag:$0x5], $0x4000, $0x38;
	[tilespmem:$0x1E880] =	vst v63  }
0xcb: {  	_ =	swait.ge [sflag:s30], $0x4000  }
0xcc: {  	[sflag:s30] =	ssyncset.done $0x0  }
0xcd: {  	[sflag:s30] =	ssyncadd.s32 $0xFFFFC000  }
0xce: {  	[tilespmem:s29], [sflag:$0x5] =	stream.linear.gather [spmem:s23], $0x4000, $0x38;
	[tilespmem:$0x1E880] =	vst v63  }
0xcf: {  	_ =	swait.ge [sflag:s30], $0x4000  }
0xd0: {  	[sflag:s30] =	ssyncset.done $0x0  }
0xd1: {  	s16 =	rddreg [dreg:$0xe];
	[sflag:s30] =	ssyncadd.s32 $0xFFFFC000  }
0xd2: {  	[hbm4b:s16+s3] =	stream.linear.scatter [tilespmem:s29], [sflag:$0x5], $0x4000, $0x38;
	[tilespmem:$0x1E880] =	vst v63  }
0xd3: {  	_ =	swait.ge [sflag:s30], $0x4000  }
0xd4: {  	s8 =	sadd.s32 $0x1, s8;
	s17 =	rddreg [dreg:$0x9]  }
0xd5: {  	p1 =	sne.s32 s8, s17  }
.Ltmp2:
0xd6: {  	_ = 	snop;
	(pc) =	sbr.rel @p1 .LBB2_1-.Ltmp2, $3  }
0xd7: {  	_ =	sdelay $0x1  }
0xd8: {  	[sflag:s30] =	ssyncset.done $0x0  }
0xd9: {  	[sflag:s30] =	ssyncadd.s32 $0xFFFFC000  }
0xda: {  	_ =	sfence.sel $0x180000  }
0xdb: {  	[bflag:$0x0] =	sbarrier.arrive $0xFFFF  }
0xdc: {  	_ =	strace $0x9000004A  }
0xdd: {  	s0 =	stileid.u32;
	[bflag:$0x2] =	sbarrier.arrive $0xFFFF  }
0xde: {  	p0 =	sne.s32 s0, $0x0;
	s0 =	rddreg [dreg:$0x3]  }
0xdf: {  	s0 =	sadd.s32 @!p0 $0x100000, s0  }
0xe0: {  	[sflag:s0] =	ssyncadd.tile.s32 @!p0 $0x1;
	_ =	shalt  }
.Lfunc_end2:
_tile_overlayer_lowered:
.L_overlay_start_2:
0xe1: {  	(tag) =	ssettag $0x2  }
0xe2: {  	s0 =	rddreg [dreg:$0x0];
	s2 =	stileid.u32  }
0xe3: {  	s1 =	rddreg [dreg:$0x1];
	p0 =	sne.s32 s2, $0x0  }
0xe4: {  	s3 =	rddreg [dreg:$0x2];
	[bflag:$0x3] =	sbarrier.arrive $0xFFFF;
	s2 =	simm.s32 @!p0 $0x1C05  }
0xe5: {  	[timem:s3], [sflag:s2] =	dma.local @!p0 [hbm:s0], s1  }
0xe6: {  	s0 =	simm.s32 @!p0 $0x5  }
0xe7: {  	_ =	swait.ge @!p0 [sflag:s0], s1  }
0xe8: {  	s1 =	ssub.s32 @!p0 $0x0, s1;
	[sflag:s0] =	ssyncset.done @!p0 $0x0  }
0xe9: {  	[sflag:s0] =	ssyncadd.s32 @!p0 s1  }
0xea: {  	[bflag:$0x3] =	sbarrier.arrive $0xFFFF  }
0xeb: {  	_ =	shalt  }

// kernel: kernel.14.cloned.1.call-start
scs
__scs_entry_jumppad:
0x0: {  	(pc) =	sbr.rel $0x88, $3  }
0x1: {  	(tag) =	ssettag $0x0;
	lr =	simm.s32 $0x1  }
0x2: {  	[smem:$0x3F9B] =	sst lr;
	_ =	strace $0xD0000000  }
0x3: {  	_ = 	snop  }
0x4: {  	_ = 	snop  }
0x5: {  	_ = 	snop  }
0x6: {  	_ = 	snop  }
0x7: {  	_ = 	snop  }
__scs_overlays_trampoline_lowered:
0x8: {  	[smem:$0x3FAA] =	sst s0  }
0x9: {  	[smem:$0x3FAB] =	sst s1  }
0xa: {  	[smem:$0x3FAC] =	sst s2  }
0xb: {  	[smem:$0x3FAD] =	sst s3  }
0xc: {  	[smem:$0x3FAE] =	sst s4  }
0xd: {  	[smem:$0x3FAF] =	sst s5  }
0xe: {  	[smem:$0x3FB0] =	sst s6  }
0xf: {  	[smem:$0x3FB1] =	sst s7  }
0x10: {  	[smem:$0x3FB2] =	sst s8  }
0x11: {  	[smem:$0x3FB3] =	sst s9;
	s0 =	simm.s32 @!p0 $0x0  }
0x12: {  	s1 =	sld [smem:$0x3F99];
	s0 =	simm.s32 @p0 $0x1  }
0x13: {  	[smem:$0x3FB4] =	sst s0;
	s0 =	simm.s32 @!p1 $0x0  }
0x14: {  	s2 =	sld [smem:$0x3F98];
	s0 =	simm.s32 @p1 $0x1  }
0x15: {  	[smem:$0x3FB5] =	sst s0;
	s0 =	simm.s32 @!p2 $0x0  }
0x16: {  	s3 =	sld [smem:$0x3FDB];
	s0 =	simm.s32 @p2 $0x1  }
0x17: {  	s4 =	simm.s32 $0x1BF5;
	[smem:$0x3FB7] =	sst s0  }
0x18: {  	s0 =	sld [smem:$0x3F9A];
	_ =	swait.ge [sflag:s4], $0x0  }
0x19: {  	s7 =	sld [smem:$0x3F9B]  }
0x1a: {  	s8 =	sadd.s32 $0xFFFFE003, lr  }
0x1b: {  	s9 =	sadd.s32 $0xFFFFFEF7, lr;
	s5 =	simm.s32 $0xFFFFFFFF;
	p2 =	slt.u32 s8, $0xFFFFF086  }
0x1c: {  	p1 =	slt.u32 s9, $0xF7A;
	s5 =	simm.s32 @!p2 $0x0  }
0x1d: {  	s5 =	simm.s32 @p1 $0x1;
	p0 =	seq.s32 s7, s2  }
0x1e: {  	s7 =	smul.u32 @!p0 $0xF7A, s2;
	p2 =	seq.s32 @!p0 s5, $0x0  }
0x1f: {  	s9 =	smul.u32 $0xF7A, s1;
	s8 =	simm.s32 @!p0 $0x1BF5;
	p2 =	por !p2, p0  }
0x20: {  	[sflag:s8] =	ssyncset.s32 @!p0 $0xFFFFF086;
	s6 =	sadd.s32 @!p0 s3, s7;
	s7 =	simm.s32 @!p0 $0x108  }
0x21: {  	s3 =	sadd.s32 s3, s9;
	s6 =	sadd.s32 @!p0 $0x88, s6;
	s7 =	simm.s32 @p2 $0x1082  }
0x22: {  	[simem:s7], [sflag:s8] =	dma.local @!p0 [hbm:s6], $0xF7A  }
0x23: {  	s9 =	sor.u32 $0xD0000000, s2;
	s6 =	simm.s32 $0x108;
	_ =	swait.ge @!p0 [sflag:s8], $0x0  }
0x24: {  	s3 =	sadd.s32 $0x88, s3;
	s6 =	simm.s32 @!p1 $0x1082;
	[sflag:s4] =	ssyncset.s32 $0xFFFFF086  }
0x25: {  	[simem:s6], [sflag:s4] =	dma.local [hbm:s3], $0xF7A  }
0x26: {  	[smem:$0x3F9B] =	sst s1;
	(tag) =	ssettag s2;
	_ =	strace s9  }
0x27: {  	s1 =	sld [smem:$0x3FAB]  }
0x28: {  	s2 =	sld [smem:$0x3FAC]  }
0x29: {  	s4 =	sld [smem:$0x3FAE]  }
0x2a: {  	p0 =	seq.s32 s5, $0x0;
	s5 =	sld [smem:$0x3FAF]  }
0x2b: {  	s6 =	sld [smem:$0x3FB0]  }
0x2c: {  	s7 =	sld [smem:$0x3FB1]  }
0x2d: {  	s3 =	simm.s32 $0x108;
	s8 =	sld [smem:$0x3FB2]  }
0x2e: {  	s3 =	simm.s32 @!p0 $0x1082;
	s9 =	sld [smem:$0x3FB3]  }
0x2f: {  	lr =	sadd.s32 s0, s3;
	s0 =	sld [smem:$0x3FAA]  }
0x30: {  	s3 =	sld [smem:$0x3FAD]  }
0x31: {  	[smem:$0x3FB6] =	sst s10  }
0x32: {  	s10 =	sld [smem:$0x3FB4];
	_ =	sdelay $0x3  }
0x33: {  	p0 =	seq.s32 s10, $0x1;
	s10 =	sld [smem:$0x3FB6];
	_ =	sdelay $0x3  }
0x34: {  	[smem:$0x3FB6] =	sst s10  }
0x35: {  	s10 =	sld [smem:$0x3FB5];
	_ =	sdelay $0x3  }
0x36: {  	p1 =	seq.s32 s10, $0x1;
	s10 =	sld [smem:$0x3FB6];
	_ =	sdelay $0x3  }
0x37: {  	[smem:$0x3FB6] =	sst s10  }
0x38: {  	s10 =	sld [smem:$0x3FB7]  }
0x39: {  	_ = 	snop;
	(pc) =	sbr.ind lr, $3  }
0x3a: {  	_ = 	snop  }
0x3b: {  	_ = 	snop  }
0x3c: {  	p2 =	seq.s32 s10, $0x1;
	s10 =	sld [smem:$0x3FB6]  }
0x3d: {  	_ =	shalt  }
0x3e: {  	_ =	shalt  }
0x3f: {  	_ =	shalt  }
0x40: {  	_ =	shalt  }
0x41: {  	_ =	shalt  }
0x42: {  	_ =	shalt  }
0x43: {  	_ =	shalt  }
0x44: {  	_ =	shalt  }
0x45: {  	_ =	shalt  }
0x46: {  	_ =	shalt  }
0x47: {  	_ =	shalt  }
0x48: {  	_ =	shalt  }
0x49: {  	_ =	shalt  }
0x4a: {  	_ =	shalt  }
0x4b: {  	_ =	shalt  }
0x4c: {  	_ =	shalt  }
0x4d: {  	_ =	shalt  }
0x4e: {  	_ =	shalt  }
0x4f: {  	_ =	shalt  }
0x50: {  	_ =	shalt  }
0x51: {  	_ =	shalt  }
0x52: {  	_ =	shalt  }
0x53: {  	_ =	shalt  }
0x54: {  	_ =	shalt  }
0x55: {  	_ =	shalt  }
0x56: {  	_ =	shalt  }
0x57: {  	_ =	shalt  }
0x58: {  	_ =	shalt  }
0x59: {  	_ =	shalt  }
0x5a: {  	_ =	shalt  }
0x5b: {  	_ =	shalt  }
0x5c: {  	_ =	shalt  }
0x5d: {  	_ =	shalt  }
0x5e: {  	_ =	shalt  }
0x5f: {  	_ =	shalt  }
0x60: {  	_ =	shalt  }
0x61: {  	_ =	shalt  }
0x62: {  	_ =	shalt  }
0x63: {  	_ =	shalt  }
0x64: {  	_ =	shalt  }
0x65: {  	_ =	shalt  }
0x66: {  	_ =	shalt  }
0x67: {  	_ =	shalt  }
0x68: {  	_ =	shalt  }
0x69: {  	_ =	shalt  }
0x6a: {  	_ =	shalt  }
0x6b: {  	_ =	shalt  }
0x6c: {  	_ =	shalt  }
0x6d: {  	_ =	shalt  }
0x6e: {  	_ =	shalt  }
0x6f: {  	_ =	shalt  }
0x70: {  	_ =	shalt  }
0x71: {  	_ =	shalt  }
0x72: {  	_ =	shalt  }
0x73: {  	_ =	shalt  }
0x74: {  	_ =	shalt  }
0x75: {  	_ =	shalt  }
0x76: {  	_ =	shalt  }
0x77: {  	_ =	shalt  }
0x78: {  	_ =	shalt  }
0x79: {  	_ =	shalt  }
0x7a: {  	_ =	shalt  }
0x7b: {  	_ =	shalt  }
0x7c: {  	_ =	shalt  }
0x7d: {  	_ =	shalt  }
0x7e: {  	_ =	shalt  }
0x7f: {  	_ =	shalt  }
0x80: {  	_ =	shalt  }
0x81: {  	_ =	shalt  }
0x82: {  	_ =	shalt  }
0x83: {  	_ =	shalt  }
0x84: {  	_ =	shalt  }
0x85: {  	_ =	shalt  }
0x86: {  	_ =	shalt  }
0x87: {  	_ =	shalt  }
.Lfunc_end0:
.L_simem_size_0:
called_computation.2_lowered:
.L_overlay_start_0:
0x88: {  	s2 =	sld [smem:$0x3FD9]  }
0x89: {  	s3 =	sld [smem:$0x3FFE];
	_ =	sdelay $0x1  }
0x8a: {  	s1 =	srdreg.scid  }
0x8b: {  	s0 =	sand.u32 $0x1, s1  }
0x8c: {  	s17 =	sshll.u32 s0, $0xA;
	s2 =	sadd.s32 s3, s2  }
0x8d: {  	s2 =	sadd.s32 s2, s17  }
0x8e: {  	[smem:$0x3FC2] =	sst s2  }
0x8f: {  	_ = 	snop  }
0x90: {  	s2 =	sld [smem:$0x3FD0];
	(tm) =	ssettm $0x1  }
0x91: {  	s18 =	sld [smem:$0x3FFB];
	_ =	sdelay $0x3  }
0x92: {  	_ =	strace s18  }
0x93: {  	s3 =	sld [smem:$0x3FFC];
	_ =	sdelay $0x3  }
0x94: {  	_ =	strace s3  }
0x95: {  	s3 =	sld [smem:$0x3FFD];
	_ =	sdelay $0x3  }
0x96: {  	_ =	strace s3  }
0x97: {  	_ =	strace $0x8FFFFFFF  }
0x98: {  	s19 =	sld [smem:$0x3FDB];
	_ =	sdelay $0x1  }
0x99: {  	s4 =	simm.s32 $_scs_section_size  }
0x9a: {  	s5 =	simm.s32 $_size__tile_overlayer_lowered;
	s6 =	simm.s32 $_tile_overlayer_lowered  }
0x9b: {  	s22 =	simm.s32 $0x1BFF;
	s21 =	sshll.u32 s6, $0x1;
	s3 =	sadd.s32 s4, s19  }
0x9c: {  	s7 =	simm.s32 $0x0;
	s20 =	sshll.u32 s5, $0x1;
	s5 =	sadd.s32 s21, s3  }
0x9d: {  	[timem:s7], [sflag:s22] =	dma.local [hbm:s5], s20  }
0x9e: {  	_ =	swait.ge [sflag:s22], s20  }
0x9f: {  	s4 =	ssub.s32 $0x0, s20;
	[sflag:s22] =	ssyncset.done $0x0  }
0xa0: {  	[sflag:s22] =	ssyncadd.s32 s4;
	_ =	sdelay $0x1  }
0xa1: {  	s23 =	simm.s32 $0x1B8B  }
0xa2: {  	_ =	swait.ge [sflag:s23], $0x1  }
0xa3: {  	[sflag:s23] =	ssyncset.done $0x0  }
0xa4: {  	s25 =	simm.s32 $0x1B8E;
	s24 =	sld [smem:$0x3FFE];
	[sflag:s23] =	ssyncadd.s32 $0xFFFFFFFF  }
0xa5: {  	s26 =	simm.s32 $execute0_lowered;
	[smem:$0x3FD2] =	sst s25  }
0xa6: {  	s5 =	sshll.u32 s26, $0x1;
	_ =	strace $0x8000004C;
	[dreg:$0x1] =	wrdreg $0xFFFFFFFF  }
0xa7: {  	s28 =	simm.s32 $_size_execute0_lowered;
	s3 =	sadd.s32 s3, s5;
	[dreg:$0x0] =	wrdreg $0x0  }
0xa8: {  	s5 =	sshll.u32 s28, $0x1;
	[dreg:$0x2] =	wrdreg s3  }
0xa9: {  	[dreg:$0x3] =	wrdreg s5  }
0xaa: {  	[dreg:$0x4] =	wrdreg $0xC0  }
0xab: {  	_ =	task [dreg:s7], $0x5FFFF  }
0xac: {  	[dreg:$0x1] =	wrdreg $0xFFFFFFFF  }
0xad: {  	[dreg:$0x0] =	wrdreg $0x60  }
0xae: {  	[dreg:$0x2] =	wrdreg s24  }
0xaf: {  	[dreg:$0x3] =	wrdreg s2  }
0xb0: {  	[dreg:$0x4] =	wrdreg $0xA8800  }
0xb1: {  	[dreg:$0x5] =	wrdreg $0x9  }
0xb2: {  	_ =	task.clear_ibuf [dreg:s7], $0x6FFFF;
	_ =	strace $0x9000004C  }
0xb3: {  	s29 =	simm.s32 $0x9;
	_ =	strace $0x8000004E  }
0xb4: {  	_ =	swait.ge [sflag:s29], $0x1  }
0xb5: {  	[sflag:s29] =	ssyncadd.s32 $0xFFFFFFFF  }
0xb6: {  	_ =	strace $0x9000004E  }
0xb7: {  	_ =	sfence  }
0xb8: {  	s30 =	sld [smem:$0x0];
	_ =	sdelay $0x2  }
0xb9: {  	s31 =	sshll.u32 s1, $0xD;
	s1 =	sshrl.u32 s1, $0x2  }
0xba: {  	s3 =	sand.u32 $0x4000, s31;
	s1 =	sadd.s32 s1, s30  }
0xbb: {  	s0 =	sor.u32 s3, s0;
	s1 =	sshll.u32 s1, $0x11  }
0xbc: {  	s0 =	sor.u32 s1, s0  }
0xbd: {  	s0 =	sadd.s32 $0x8F2B, s0  }
0xbe: {  	[sflag:s0] =	ssyncadd.remote.s32 $0x1  }
0xbf: {  	_ =	sfence.sel $0xFFFF  }
0xc0: {  	[dreg:$0x0] =	wrdreg $0xFFFFFFFF;
	(pc) =	sbr.abs _section_cstart, $3  }
0xc1: {  	[dreg:$0x1] =	wrdreg $0xFFFFFFFF  }
0xc2: {  	_ =	task.clear_ibuf [dreg:s7], $0x2FFFF;
	_ =	strace $0x9FFFFFFF  }
0xc3: {  	(tm) =	ssettm $0x7FFFFFFF  }
tec
execute0_lowered:
.L_overlay_start_1:
0x0: {  	(tag) =	ssettag $0x1  }
0x1: {  	s0 =	rddreg [dreg:$0x0]  }
0x2: {  	s2 =	rddreg [dreg:$0x1]  }
0x3: {  	s1 =	rddreg [dreg:$0x2]  }
0x4: {  	s3 =	srdreg.scid;
	s15 =	stileid.u32  }
0x5: {  	s29 =	simm.s32 $0x2880;
	s30 =	simm.s32 $0x5;
	s31 =	simm.s32 $0x2780  }
0x6: {  	s7 =	sand.u32 $0x1, s3;
	s3 =	simm.s32 $0x0;
	s10 =	smul.u32 $0x50000, s15  }
0x7: {  	s5 =	sadd.s32 $0x1C00, s0;
	s25 =	sshll.u32 s15, $0x4;
	s26 =	smul.u32 $0x14000, s15  }
0x8: {  	s4 =	sshll.u32 s7, $0x4;
	[smem:$0x7FF] =	sst s3;
	s16 =	smul.u32 $0x140000, s7  }
0x9: {  	s9 =	ssub.s32 $0x2, s7;
	s7 =	smul.u32 $0x27000, s7;
	s8 =	sor.u32 s15, s4  }
0xa: {  	_ =	strace $0x8000004D;
	s4 =	sadd.s32 $0xBA00, s0;
	s0 =	sadd.s32 $0x33A00, s0  }
0xb: {  	s11 =	sshrl.u32 s9, $0x1;
	s10 =	sshrl.u32 s10, $0x2;
	s17 =	sadd.s32 $0x4000, s26  }
0xc: {  	s13 =	sadd.s32 $0x8000, s26;
	s22 =	sadd.s32 $0xC000, s26;
	s6 =	smul.u32 $0x2700, s8  }
0xd: {  	s9 =	ssub.s32 s9, s11;
	s18 =	sadd.s32 s16, s26;
	s19 =	sadd.s32 s16, s17  }
0xe: {  	s14 =	sadd.s32 s16, s13;
	s11 =	sadd.s32 $0x10000, s26;
	p0 =	sgt.u32 s8, $0x3  }
0xf: {  	s8 =	simm.s32 $0x0;
	s9 =	smax.u32 s9, $0x1;
	s21 =	sshrl.u32 s14, $0x3  }
0x10: {  	s23 =	sshrl.u32 s6, $0x3;
	s6 =	sadd.s32 s10, s1;
	s10 =	sor.u32 $0x9C00, s25  }
0x11: {  	[dreg:$0x9] =	wrdreg s9;
	s9 =	simm.s32 $0x1;
	s24 =	sadd.s32 s2, s23  }
0x12: {  	s12 =	sadd.s32 s5, s23;
	s2 =	sadd.s32 s2, s10;
	[dreg:$0x4] =	wrdreg s24  }
0x13: {  	s10 =	sadd.s32 s5, s10;
	s23 =	sadd.s32 s16, s22;
	[dreg:$0x5] =	wrdreg s12  }
0x14: {  	s22 =	sadd.s32 s22, s1;
	s28 =	sadd.s32 $0x10000, s6;
	[dreg:$0x7] =	wrdreg s2  }
0x15: {  	s12 =	sadd.s32 $0x10, s12;
	[dreg:$0x8] =	wrdreg s10;
	s10 =	sshrl.u32 s18, $0x3  }
0x16: {  	s2 =	sadd.s32 s16, s11;
	s24 =	smul.u32 $0x2700, s15;
	s18 =	sadd.s32 $0x4000, s6  }
0x17: {  	[dreg:$0x6] =	wrdreg s12;
	s12 =	sshrl.u32 s19, $0x3;
	s10 =	sadd.s32 s0, s10  }
0x18: {  	s2 =	sshrl.u32 s2, $0x3;
	s19 =	sadd.s32 $0x8000, s6;
	[dreg:$0xa] =	wrdreg s10  }
0x19: {  	s20 =	sadd.s32 s0, s12;
	s10 =	sadd.s32 s0, s21;
	s12 =	sshrl.u32 s23, $0x3  }
0x1a: {  	s25 =	sadd.s32 s24, s7;
	s21 =	sadd.s32 s13, s1;
	s23 =	sadd.s32 s11, s1  }
0x1b: {  	s7 =	simm.s32 $0x6880;
	s11 =	simm.s32 $0x2;
	[dreg:$0xb] =	wrdreg s20  }
0x1c: {  	[dreg:$0xc] =	wrdreg s10;
	s12 =	sadd.s32 s0, s12;
	s0 =	sadd.s32 s0, s2  }
0x1d: {  	s20 =	sadd.s32 s17, s1;
	s26 =	sadd.s32 $0x180, s25;
	[dreg:$0xd] =	wrdreg s12  }
0x1e: {  	s24 =	sadd.s32 $0x100, s25;
	s10 =	simm.s32 $0x3;
	[dreg:$0xe] =	wrdreg s0  }
0x1f: {  	s2 =	sshrl.u32 s26, $0x3;
	s26 =	sadd.s32 $0xC000, s6;
	s0 =	simm.s32 $0x80  }
0x20: {  	v0 =	vimm.f32 $0.0e+00;
	s12 =	simm.s32 $0x4;
	s25 =	sadd.s32 s2, s5;
	s2 =	simm.s32 $0x2800  }
.LBB2_1:
0x21: {  	s13 =	simm.s32 $0x0;
	s14 =	simm.s32 $0x200  }
.LBB2_2:
0x22: {  	p1 =	sne.s32 s14, $0xFE00;
	[tilespmem:s13+$0x28F0] =	vst v0  }
0x23: {  	[tilespmem:s13+$0x2880] =	vst v0  }
0x24: {  	[tilespmem:s13+$0x2890] =	vst v0  }
.Ltmp0:
0x25: {  	[tilespmem:s13+$0x28A0] =	vst v0;
	(pc) =	sbr.rel @p1 .LBB2_2-.Ltmp0, $4  }
0x26: {  	[tilespmem:s13+$0x28B0] =	vst v0  }
0x27: {  	[tilespmem:s13+$0x28C0] =	vst v0  }
0x28: {  	[tilespmem:s13+$0x28D0] =	vst v0  }
0x29: {  	[tilespmem:s13+$0x28E0] =	vst v0;
	s13 =	sshra.s32 s14, $0x2;
	s14 =	sadd.s32 $0x200, s14  }
0x2a: {  	[tilespmem:s13+$0x28F0] =	vst v0  }
0x2b: {  	[tilespmem:s13+$0x2880] =	vst v0  }
0x2c: {  	[tilespmem:s13+$0x2890] =	vst v0  }
0x2d: {  	[tilespmem:s13+$0x28A0] =	vst v0  }
0x2e: {  	[tilespmem:s13+$0x28B0] =	vst v0  }
0x2f: {  	[tilespmem:s13+$0x28C0] =	vst v0  }
0x30: {  	[tilespmem:s13+$0x28D0] =	vst v0  }
0x31: {  	[tilespmem:s13+$0x28E0] =	vst v0  }
0x32: {  	[spmem:s6] =	stream.linear.scatter [tilespmem:s29], [sflag:$0x5], $0x4000, $0x38;
	[tilespmem:$0x1E880] =	vst v63  }
0x33: {  	_ =	swait.ge [sflag:s30], $0x4000  }
0x34: {  	[sflag:s30] =	ssyncset.done $0x0  }
0x35: {  	[sflag:s30] =	ssyncadd.s32 $0xFFFFC000  }
0x36: {  	[spmem:s18] =	stream.linear.scatter [tilespmem:s29], [sflag:$0x5], $0x4000, $0x38;
	[tilespmem:$0x1E880] =	vst v63  }
0x37: {  	_ =	swait.ge [sflag:s30], $0x4000  }
0x38: {  	[sflag:s30] =	ssyncset.done $0x0  }
0x39: {  	[sflag:s30] =	ssyncadd.s32 $0xFFFFC000  }
0x3a: {  	[spmem:s19] =	stream.linear.scatter [tilespmem:s29], [sflag:$0x5], $0x4000, $0x38;
	[tilespmem:$0x1E880] =	vst v63  }
0x3b: {  	_ =	swait.ge [sflag:s30], $0x4000  }
0x3c: {  	[sflag:s30] =	ssyncset.done $0x0  }
0x3d: {  	[sflag:s30] =	ssyncadd.s32 $0xFFFFC000  }
0x3e: {  	[spmem:s26] =	stream.linear.scatter [tilespmem:s29], [sflag:$0x5], $0x4000, $0x38;
	[tilespmem:$0x1E880] =	vst v63  }
0x3f: {  	_ =	swait.ge [sflag:s30], $0x4000  }
0x40: {  	[sflag:s30] =	ssyncset.done $0x0  }
0x41: {  	[sflag:s30] =	ssyncadd.s32 $0xFFFFC000  }
0x42: {  	[spmem:s28] =	stream.linear.scatter [tilespmem:s29], [sflag:$0x5], $0x4000, $0x38;
	[tilespmem:$0x1E880] =	vst v63  }
0x43: {  	_ =	swait.ge [sflag:s30], $0x4000  }
0x44: {  	[sflag:s30] =	ssyncset.done $0x0  }
0x45: {  	[sflag:s30] =	ssyncadd.s32 $0xFFFFC000  }
0x46: {  	[bflag:$0x0] =	sbarrier.arrive $0xFFFF  }
0x47: {  	s15 =	simm.s32 $0x0;
	s14 =	rddreg [dreg:$0x4]  }
0x48: {  	[tilespmem:s15], [sflag:$0x5] =	stream.linear.gather [hbm4b:s14+s15], $0x2700, $0x38;
	[tilespmem:$0x1E880] =	vst v63  }
0x49: {  	_ =	swait.ge [sflag:s30], $0x2700  }
0x4a: {  	[sflag:s30] =	ssyncset.done $0x0  }
0x4b: {  	s16 =	rddreg [dreg:$0x5];
	[sflag:s30] =	ssyncadd.s32 $0xFFFFD900  }
0x4c: {  	[tilespmem:s31], [sflag:$0x3] =	stream.linear.gather [hbm4b:s16+s15], $0x80, $0x38;
	[tilespmem:$0x1E880] =	vst v63  }
0x4d: {  	_ = 	snop  }
0x4e: {  	[tilespmem:s29], [sflag:$0x1] =	stream.indirect.gather [hbm4b:s4+s0], $0x80, s15, s0, $0xb8;
	[tilespmem:$0x1E880] =	vst v63  }
0x4f: {  	s17 =	rddreg [dreg:$0x6]  }
0x50: {  	[tilespmem:s2], [sflag:$0x4] =	stream.linear.gather [hbm4b:s17+s15], $0x80, $0x38;
	[tilespmem:$0x1E880] =	vst v63  }
0x51: {  	_ = 	snop  }
0x52: {  	[tilespmem:s7], [sflag:$0x2] =	stream.indirect.gather [hbm4b:s4+s0], $0x80, s0, s0, $0xb8;
	[tilespmem:$0x1E880] =	vst v63  }
0x53: {  	_ =	swait.ge [sflag:s9], $0x4000  }
0x54: {  	[sflag:s9] =	ssyncset.done $0x0  }
0x55: {  	[sflag:s9] =	ssyncadd.s32 $0xFFFFC000  }
0x56: {  	_ =	swait.ge [sflag:s10], $0x80  }
0x57: {  	[sflag:s10] =	ssyncset.done $0x0  }
0x58: {  	[sflag:s10] =	ssyncadd.s32 $0xFFFFFF80  }
0x59: {  	[spmem:s1] =	stream.indirect.scatter.add.f32 [tilespmem:s29], [sflag:$0x5], $0x80, s31, s0, $0xb8;
	[tilespmem:$0x1E880] =	vst v63  }
0x5a: {  	_ =	swait.ge [sflag:s30], $0x4000  }
0x5b: {  	s15 =	sshrl.u32 s24, $0x3;
	[sflag:s30] =	ssyncset.done $0x0  }
0x5c: {  	s13 =	sadd.s32 s5, s15;
	[sflag:s30] =	ssyncadd.s32 $0xFFFFC000  }
0x5d: {  	[tilespmem:s31], [sflag:$0x3] =	stream.linear.gather [hbm4b:s13+s3], $0x80, $0x38;
	[tilespmem:$0x1E880] =	vst v63  }
0x5e: {  	s16 =	simm.s32 $0x100  }
0x5f: {  	[tilespmem:s29], [sflag:$0x1] =	stream.indirect.gather [hbm4b:s4+s0], $0x80, s16, s0, $0xb8;
	[tilespmem:$0x1E880] =	vst v63  }
0x60: {  	_ =	swait.ge [sflag:s11], $0x4000  }
0x61: {  	[sflag:s11] =	ssyncset.done $0x0  }
0x62: {  	[sflag:s11] =	ssyncadd.s32 $0xFFFFC000  }
0x63: {  	_ =	swait.ge [sflag:s12], $0x80  }
0x64: {  	[sflag:s12] =	ssyncset.done $0x0  }
0x65: {  	[sflag:s12] =	ssyncadd.s32 $0xFFFFFF80  }
0x66: {  	[spmem:s1] =	stream.indirect.scatter.add.f32 [tilespmem:s7], [sflag:$0x5], $0x80, s2, s0, $0xb8;
	[tilespmem:$0x1E880] =	vst v63  }
0x67: {  	s14 =	sadd.s32 $0x100, s24;
	_ =	swait.ge [sflag:s30], $0x4000  }
0x68: {  	s17 =	sadd.s32 $0x0, s25;
	s15 =	simm.s32 $0x200;
	[sflag:s30] =	ssyncset.done $0x0  }
0x69: {  	s13 =	simm.s32 $0x20;
	s16 =	simm.s32 $0x180;
	[sflag:s30] =	ssyncadd.s32 $0xFFFFC000  }
0x6a: {  	[tilespmem:s2], [sflag:$0x4] =	stream.linear.gather [hbm4b:s17+s3], $0x80, $0x38;
	[tilespmem:$0x1E880] =	vst v63  }
.LBB2_4:
0x6b: {  	[tilespmem:s7], [sflag:$0x2] =	stream.indirect.gather [hbm4b:s4+s0], $0x80, s16, s0, $0xb8;
	[tilespmem:$0x1E880] =	vst v63  }
0x6c: {  	s16 =	smov.u32 s13  }
0x6d: {  	p1 =	sne.s32 s13, $0x4A0;
	s13 =	sadd.s32 $0x20, s13;
	_ =	swait.ge [sflag:s9], $0x4000  }
0x6e: {  	[sflag:s9] =	ssyncset.done $0x0  }
0x6f: {  	[sflag:s9] =	ssyncadd.s32 $0xFFFFC000  }
0x70: {  	_ =	swait.ge [sflag:s10], $0x80  }
0x71: {  	[sflag:s10] =	ssyncset.done $0x0  }
0x72: {  	[sflag:s10] =	ssyncadd.s32 $0xFFFFFF80  }
0x73: {  	[spmem:s1] =	stream.indirect.scatter.add.f32 [tilespmem:s29], [sflag:$0x5], $0x80, s31, s0, $0xb8;
	[tilespmem:$0x1E880] =	vst v63  }
0x74: {  	_ =	swait.ge [sflag:s30], $0x4000  }
0x75: {  	s17 =	sshrl.u32 s14, $0x3;
	[sflag:s30] =	ssyncset.done $0x0  }
0x76: {  	s17 =	sadd.s32 s5, s17;
	[sflag:s30] =	ssyncadd.s32 $0xFFFFC000  }
0x77: {  	[tilespmem:s31], [sflag:$0x3] =	stream.linear.gather [hbm4b:s17+s3], $0x80, $0x38;
	[tilespmem:$0x1E880] =	vst v63  }
0x78: {  	_ = 	snop  }
0x79: {  	[tilespmem:s29], [sflag:$0x1] =	stream.indirect.gather [hbm4b:s4+s0], $0x80, s15, s0, $0xb8;
	[tilespmem:$0x1E880] =	vst v63  }
0x7a: {  	_ =	swait.ge [sflag:s11], $0x4000  }
0x7b: {  	[sflag:s11] =	ssyncset.done $0x0  }
0x7c: {  	[sflag:s11] =	ssyncadd.s32 $0xFFFFC000  }
0x7d: {  	_ =	swait.ge [sflag:s12], $0x80  }
0x7e: {  	[sflag:s12] =	ssyncset.done $0x0  }
0x7f: {  	[sflag:s12] =	ssyncadd.s32 $0xFFFFFF80  }
0x80: {  	[spmem:s1] =	stream.indirect.scatter.add.f32 [tilespmem:s7], [sflag:$0x5], $0x80, s2, s0, $0xb8;
	[tilespmem:$0x1E880] =	vst v63  }
.Ltmp1:
0x81: {  	_ =	swait.ge [sflag:s30], $0x4000;
	(pc) =	sbr.rel @p1 .LBB2_4-.Ltmp1, $4  }
0x82: {  	[sflag:s30] =	ssyncset.done $0x0  }
0x83: {  	s16 =	sadd.s32 s16, s25;
	[sflag:s30] =	ssyncadd.s32 $0xFFFFC000  }
0x84: {  	[tilespmem:s2], [sflag:$0x4] =	stream.linear.gather [hbm4b:s16+s3], $0x80, $0x38;
	[tilespmem:$0x1E880] =	vst v63  }
0x85: {  	s14 =	sadd.s32 $0x100, s14;
	s16 =	sadd.s32 $0x80, s15;
	s15 =	sadd.s32 $0x100, s15  }
0x86: {  	[tilespmem:s7], [sflag:$0x2] =	stream.indirect.gather [hbm4b:s4+s0], $0x80, s16, s0, $0xb8;
	[tilespmem:$0x1E880] =	vst v63  }
0x87: {  	_ =	swait.ge [sflag:s9], $0x4000  }
0x88: {  	[sflag:s9] =	ssyncset.done $0x0  }
0x89: {  	[sflag:s9] =	ssyncadd.s32 $0xFFFFC000  }
0x8a: {  	_ =	swait.ge [sflag:s10], $0x80  }
0x8b: {  	[sflag:s10] =	ssyncset.done $0x0  }
0x8c: {  	[sflag:s10] =	ssyncadd.s32 $0xFFFFFF80  }
0x8d: {  	[spmem:s1] =	stream.indirect.scatter.add.f32 [tilespmem:s29], [sflag:$0x5], $0x80, s31, s0, $0xb8;
	[tilespmem:$0x1E880] =	vst v63  }
0x8e: {  	_ =	swait.ge [sflag:s30], $0x4000  }
0x8f: {  	[sflag:s30] =	ssyncset.done $0x0  }
0x90: {  	[sflag:s30] =	ssyncadd.s32 $0xFFFFC000  }
0x91: {  	_ =	swait.ge [sflag:s11], $0x4000  }
0x92: {  	[sflag:s11] =	ssyncset.done $0x0  }
0x93: {  	[sflag:s11] =	ssyncadd.s32 $0xFFFFC000  }
0x94: {  	_ =	swait.ge [sflag:s12], $0x80  }
0x95: {  	[sflag:s12] =	ssyncset.done $0x0  }
0x96: {  	[sflag:s12] =	ssyncadd.s32 $0xFFFFFF80  }
0x97: {  	[spmem:s1] =	stream.indirect.scatter.add.f32 [tilespmem:s7], [sflag:$0x5], $0x80, s2, s0, $0xb8;
	[tilespmem:$0x1E880] =	vst v63  }
0x98: {  	_ =	swait.ge [sflag:s30], $0x4000  }
0x99: {  	s13 =	simm.s32 @!p0 $0x0;
	[sflag:s30] =	ssyncset.done $0x0  }
0x9a: {  	s14 =	simm.s32 @!p0 $0x2700;
	s15 =	rddreg [dreg:$0x7];
	[sflag:s30] =	ssyncadd.s32 $0xFFFFC000  }
0x9b: {  	[tilespmem:s14], [sflag:$0x5] =	stream.linear.gather @!p0 [hbm4b:s15+s13], $0x80, $0x38;
	[tilespmem:$0x1E880] =	vst v63  }
0x9c: {  	s15 =	simm.s32 @!p0 $0x5  }
0x9d: {  	_ =	swait.ge @!p0 [sflag:s15], $0x80  }
0x9e: {  	[sflag:s15] =	ssyncset.done @!p0 $0x0  }
0x9f: {  	s16 =	simm.s32 @!p0 $0x2780;
	s17 =	rddreg [dreg:$0x8];
	[sflag:s15] =	ssyncadd.s32 @!p0 $0xFFFFFF80  }
0xa0: {  	[tilespmem:s16], [sflag:$0x5] =	stream.linear.gather @!p0 [hbm4b:s17+s13], $0x80, $0x38;
	[tilespmem:$0x1E880] =	vst v63  }
0xa1: {  	_ =	swait.ge @!p0 [sflag:s15], $0x80  }
0xa2: {  	[sflag:s15] =	ssyncset.done @!p0 $0x0  }
0xa3: {  	s13 =	simm.s32 @!p0 $0x80;
	s17 =	simm.s32 @!p0 $0x2880;
	[sflag:s15] =	ssyncadd.s32 @!p0 $0xFFFFFF80  }
0xa4: {  	[tilespmem:s17], [sflag:$0x1] =	stream.indirect.gather @!p0 [hbm4b:s4+s13], $0x80, s14, s13, $0xb8;
	[tilespmem:$0x1E880] =	vst v63  }
0xa5: {  	s14 =	simm.s32 @!p0 $0x1  }
0xa6: {  	_ =	swait.ge @!p0 [sflag:s14], $0x4000  }
0xa7: {  	[sflag:s14] =	ssyncset.done @!p0 $0x0  }
0xa8: {  	[sflag:s14] =	ssyncadd.s32 @!p0 $0xFFFFC000  }
0xa9: {  	[spmem:s1] =	stream.indirect.scatter.add.f32 @!p0 [tilespmem:s17], [sflag:$0x5], $0x80, s16, s13, $0xb8;
	[tilespmem:$0x1E880] =	vst v63  }
0xaa: {  	_ =	swait.ge @!p0 [sflag:s15], $0x4000  }
0xab: {  	[sflag:s15] =	ssyncset.done @!p0 $0x0  }
0xac: {  	[sflag:s15] =	ssyncadd.s32 @!p0 $0xFFFFC000  }
0xad: {  	[bflag:$0x0] =	sbarrier.arrive $0xFFFF  }
0xae: {  	[tilespmem:s29], [sflag:$0x5] =	stream.linear.gather [spmem:s6], $0x4000, $0x38;
	[tilespmem:$0x1E880] =	vst v63  }
0xaf: {  	_ =	swait.ge [sflag:s30], $0x4000  }
0xb0: {  	[sflag:s30] =	ssyncset.done $0x0  }
0xb1: {  	s16 =	rddreg [dreg:$0xa];
	[sflag:s30] =	ssyncadd.s32 $0xFFFFC000  }
0xb2: {  	[hbm4b:s16+s3] =	stream.linear.scatter [tilespmem:s29], [sflag:$0x5], $0x4000, $0x38;
	[tilespmem:$0x1E880] =	vst v63  }
0xb3: {  	_ =	swait.ge [sflag:s30], $0x4000  }
0xb4: {  	[sflag:s30] =	ssyncset.done $0x0  }
0xb5: {  	[sflag:s30] =	ssyncadd.s32 $0xFFFFC000  }
0xb6: {  	[tilespmem:s29], [sflag:$0x5] =	stream.linear.gather [spmem:s20], $0x4000, $0x38;
	[tilespmem:$0x1E880] =	vst v63  }
0xb7: {  	_ =	swait.ge [sflag:s30], $0x4000  }
0xb8: {  	[sflag:s30] =	ssyncset.done $0x0  }
0xb9: {  	s17 =	rddreg [dreg:$0xb];
	[sflag:s30] =	ssyncadd.s32 $0xFFFFC000  }
0xba: {  	[hbm4b:s17+s3] =	stream.linear.scatter [tilespmem:s29], [sflag:$0x5], $0x4000, $0x38;
	[tilespmem:$0x1E880] =	vst v63  }
0xbb: {  	_ =	swait.ge [sflag:s30], $0x4000  }
0xbc: {  	[sflag:s30] =	ssyncset.done $0x0  }
0xbd: {  	[sflag:s30] =	ssyncadd.s32 $0xFFFFC000  }
0xbe: {  	[tilespmem:s29], [sflag:$0x5] =	stream.linear.gather [spmem:s21], $0x4000, $0x38;
	[tilespmem:$0x1E880] =	vst v63  }
0xbf: {  	_ =	swait.ge [sflag:s30], $0x4000  }
0xc0: {  	[sflag:s30] =	ssyncset.done $0x0  }
0xc1: {  	s14 =	rddreg [dreg:$0xc];
	[sflag:s30] =	ssyncadd.s32 $0xFFFFC000  }
0xc2: {  	[hbm4b:s14+s3] =	stream.linear.scatter [tilespmem:s29], [sflag:$0x5], $0x4000, $0x38;
	[tilespmem:$0x1E880] =	vst v63  }
0xc3: {  	_ =	swait.ge [sflag:s30], $0x4000  }
0xc4: {  	[sflag:s30] =	ssyncset.done $0x0  }
0xc5: {  	[sflag:s30] =	ssyncadd.s32 $0xFFFFC000  }
0xc6: {  	[tilespmem:s29], [sflag:$0x5] =	stream.linear.gather [spmem:s22], $0x4000, $0x38;
	[tilespmem:$0x1E880] =	vst v63  }
0xc7: {  	_ =	swait.ge [sflag:s30], $0x4000  }
0xc8: {  	[sflag:s30] =	ssyncset.done $0x0  }
0xc9: {  	s15 =	rddreg [dreg:$0xd];
	[sflag:s30] =	ssyncadd.s32 $0xFFFFC000  }
0xca: {  	[hbm4b:s15+s3] =	stream.linear.scatter [tilespmem:s29], [sflag:$0x5], $0x4000, $0x38;
	[tilespmem:$0x1E880] =	vst v63  }
0xcb: {  	_ =	swait.ge [sflag:s30], $0x4000  }
0xcc: {  	[sflag:s30] =	ssyncset.done $0x0  }
0xcd: {  	[sflag:s30] =	ssyncadd.s32 $0xFFFFC000  }
0xce: {  	[tilespmem:s29], [sflag:$0x5] =	stream.linear.gather [spmem:s23], $0x4000, $0x38;
	[tilespmem:$0x1E880] =	vst v63  }
0xcf: {  	_ =	swait.ge [sflag:s30], $0x4000  }
0xd0: {  	[sflag:s30] =	ssyncset.done $0x0  }
0xd1: {  	s16 =	rddreg [dreg:$0xe];
	[sflag:s30] =	ssyncadd.s32 $0xFFFFC000  }
0xd2: {  	[hbm4b:s16+s3] =	stream.linear.scatter [tilespmem:s29], [sflag:$0x5], $0x4000, $0x38;
	[tilespmem:$0x1E880] =	vst v63  }
0xd3: {  	_ =	swait.ge [sflag:s30], $0x4000  }
0xd4: {  	s8 =	sadd.s32 $0x1, s8;
	s17 =	rddreg [dreg:$0x9]  }
0xd5: {  	p1 =	sne.s32 s8, s17  }
.Ltmp2:
0xd6: {  	_ = 	snop;
	(pc) =	sbr.rel @p1 .LBB2_1-.Ltmp2, $3  }
0xd7: {  	_ =	sdelay $0x1  }
0xd8: {  	[sflag:s30] =	ssyncset.done $0x0  }
0xd9: {  	[sflag:s30] =	ssyncadd.s32 $0xFFFFC000  }
0xda: {  	_ =	sfence.sel $0x180000  }
0xdb: {  	[bflag:$0x0] =	sbarrier.arrive $0xFFFF  }
0xdc: {  	_ =	strace $0x9000004D  }
0xdd: {  	s0 =	stileid.u32;
	[bflag:$0x2] =	sbarrier.arrive $0xFFFF  }
0xde: {  	p0 =	sne.s32 s0, $0x0;
	s0 =	rddreg [dreg:$0x3]  }
0xdf: {  	s0 =	sadd.s32 @!p0 $0x100000, s0  }
0xe0: {  	[sflag:s0] =	ssyncadd.tile.s32 @!p0 $0x1;
	_ =	shalt  }
.Lfunc_end2:
_tile_overlayer_lowered:
.L_overlay_start_2:
0xe1: {  	(tag) =	ssettag $0x2  }
0xe2: {  	s0 =	rddreg [dreg:$0x0];
	s2 =	stileid.u32  }
0xe3: {  	s1 =	rddreg [dreg:$0x1];
	p0 =	sne.s32 s2, $0x0  }
0xe4: {  	s3 =	rddreg [dreg:$0x2];
	[bflag:$0x3] =	sbarrier.arrive $0xFFFF;
	s2 =	simm.s32 @!p0 $0x1C05  }
0xe5: {  	[timem:s3], [sflag:s2] =	dma.local @!p0 [hbm:s0], s1  }
0xe6: {  	s0 =	simm.s32 @!p0 $0x5  }
0xe7: {  	_ =	swait.ge @!p0 [sflag:s0], s1  }
0xe8: {  	s1 =	ssub.s32 @!p0 $0x0, s1;
	[sflag:s0] =	ssyncset.done @!p0 $0x0  }
0xe9: {  	[sflag:s0] =	ssyncadd.s32 @!p0 s1  }
0xea: {  	[bflag:$0x3] =	sbarrier.arrive $0xFFFF  }
0xeb: {  	_ =	shalt  }

// kernel: kernel.8.cloned.1.call-start
scs
__scs_entry_jumppad:
0x0: {  	(pc) =	sbr.rel $0x88, $3  }
0x1: {  	(tag) =	ssettag $0x0;
	lr =	simm.s32 $0x1  }
0x2: {  	[smem:$0x3F9B] =	sst lr;
	_ =	strace $0xD0000000  }
0x3: {  	_ = 	snop  }
0x4: {  	_ = 	snop  }
0x5: {  	_ = 	snop  }
0x6: {  	_ = 	snop  }
0x7: {  	_ = 	snop  }
__scs_overlays_trampoline_lowered:
0x8: {  	[smem:$0x3FAA] =	sst s0  }
0x9: {  	[smem:$0x3FAB] =	sst s1  }
0xa: {  	[smem:$0x3FAC] =	sst s2  }
0xb: {  	[smem:$0x3FAD] =	sst s3  }
0xc: {  	[smem:$0x3FAE] =	sst s4  }
0xd: {  	[smem:$0x3FAF] =	sst s5  }
0xe: {  	[smem:$0x3FB0] =	sst s6  }
0xf: {  	[smem:$0x3FB1] =	sst s7  }
0x10: {  	[smem:$0x3FB2] =	sst s8  }
0x11: {  	[smem:$0x3FB3] =	sst s9;
	s0 =	simm.s32 @!p0 $0x0  }
0x12: {  	s1 =	sld [smem:$0x3F99];
	s0 =	simm.s32 @p0 $0x1  }
0x13: {  	[smem:$0x3FB4] =	sst s0;
	s0 =	simm.s32 @!p1 $0x0  }
0x14: {  	s2 =	sld [smem:$0x3F98];
	s0 =	simm.s32 @p1 $0x1  }
0x15: {  	[smem:$0x3FB5] =	sst s0;
	s0 =	simm.s32 @!p2 $0x0  }
0x16: {  	s3 =	sld [smem:$0x3FDB];
	s0 =	simm.s32 @p2 $0x1  }
0x17: {  	s4 =	simm.s32 $0x1BF5;
	[smem:$0x3FB7] =	sst s0  }
0x18: {  	s0 =	sld [smem:$0x3F9A];
	_ =	swait.ge [sflag:s4], $0x0  }
0x19: {  	s7 =	sld [smem:$0x3F9B]  }
0x1a: {  	s8 =	sadd.s32 $0xFFFFE003, lr  }
0x1b: {  	s9 =	sadd.s32 $0xFFFFFEF7, lr;
	s5 =	simm.s32 $0xFFFFFFFF;
	p2 =	slt.u32 s8, $0xFFFFF086  }
0x1c: {  	p1 =	slt.u32 s9, $0xF7A;
	s5 =	simm.s32 @!p2 $0x0  }
0x1d: {  	s5 =	simm.s32 @p1 $0x1;
	p0 =	seq.s32 s7, s2  }
0x1e: {  	s7 =	smul.u32 @!p0 $0xF7A, s2;
	p2 =	seq.s32 @!p0 s5, $0x0  }
0x1f: {  	s9 =	smul.u32 $0xF7A, s1;
	s8 =	simm.s32 @!p0 $0x1BF5;
	p2 =	por !p2, p0  }
0x20: {  	[sflag:s8] =	ssyncset.s32 @!p0 $0xFFFFF086;
	s6 =	sadd.s32 @!p0 s3, s7;
	s7 =	simm.s32 @!p0 $0x108  }
0x21: {  	s3 =	sadd.s32 s3, s9;
	s6 =	sadd.s32 @!p0 $0x88, s6;
	s7 =	simm.s32 @p2 $0x1082  }
0x22: {  	[simem:s7], [sflag:s8] =	dma.local @!p0 [hbm:s6], $0xF7A  }
0x23: {  	s9 =	sor.u32 $0xD0000000, s2;
	s6 =	simm.s32 $0x108;
	_ =	swait.ge @!p0 [sflag:s8], $0x0  }
0x24: {  	s3 =	sadd.s32 $0x88, s3;
	s6 =	simm.s32 @!p1 $0x1082;
	[sflag:s4] =	ssyncset.s32 $0xFFFFF086  }
0x25: {  	[simem:s6], [sflag:s4] =	dma.local [hbm:s3], $0xF7A  }
0x26: {  	[smem:$0x3F9B] =	sst s1;
	(tag) =	ssettag s2;
	_ =	strace s9  }
0x27: {  	s1 =	sld [smem:$0x3FAB]  }
0x28: {  	s2 =	sld [smem:$0x3FAC]  }
0x29: {  	s4 =	sld [smem:$0x3FAE]  }
0x2a: {  	p0 =	seq.s32 s5, $0x0;
	s5 =	sld [smem:$0x3FAF]  }
0x2b: {  	s6 =	sld [smem:$0x3FB0]  }
0x2c: {  	s7 =	sld [smem:$0x3FB1]  }
0x2d: {  	s3 =	simm.s32 $0x108;
	s8 =	sld [smem:$0x3FB2]  }
0x2e: {  	s3 =	simm.s32 @!p0 $0x1082;
	s9 =	sld [smem:$0x3FB3]  }
0x2f: {  	lr =	sadd.s32 s0, s3;
	s0 =	sld [smem:$0x3FAA]  }
0x30: {  	s3 =	sld [smem:$0x3FAD]  }
0x31: {  	[smem:$0x3FB6] =	sst s10  }
0x32: {  	s10 =	sld [smem:$0x3FB4];
	_ =	sdelay $0x3  }
0x33: {  	p0 =	seq.s32 s10, $0x1;
	s10 =	sld [smem:$0x3FB6];
	_ =	sdelay $0x3  }
0x34: {  	[smem:$0x3FB6] =	sst s10  }
0x35: {  	s10 =	sld [smem:$0x3FB5];
	_ =	sdelay $0x3  }
0x36: {  	p1 =	seq.s32 s10, $0x1;
	s10 =	sld [smem:$0x3FB6];
	_ =	sdelay $0x3  }
0x37: {  	[smem:$0x3FB6] =	sst s10  }
0x38: {  	s10 =	sld [smem:$0x3FB7]  }
0x39: {  	_ = 	snop;
	(pc) =	sbr.ind lr, $3  }
0x3a: {  	_ = 	snop  }
0x3b: {  	_ = 	snop  }
0x3c: {  	p2 =	seq.s32 s10, $0x1;
	s10 =	sld [smem:$0x3FB6]  }
0x3d: {  	_ =	shalt  }
0x3e: {  	_ =	shalt  }
0x3f: {  	_ =	shalt  }
0x40: {  	_ =	shalt  }
0x41: {  	_ =	shalt  }
0x42: {  	_ =	shalt  }
0x43: {  	_ =	shalt  }
0x44: {  	_ =	shalt  }
0x45: {  	_ =	shalt  }
0x46: {  	_ =	shalt  }
0x47: {  	_ =	shalt  }
0x48: {  	_ =	shalt  }
0x49: {  	_ =	shalt  }
0x4a: {  	_ =	shalt  }
0x4b: {  	_ =	shalt  }
0x4c: {  	_ =	shalt  }
0x4d: {  	_ =	shalt  }
0x4e: {  	_ =	shalt  }
0x4f: {  	_ =	shalt  }
0x50: {  	_ =	shalt  }
0x51: {  	_ =	shalt  }
0x52: {  	_ =	shalt  }
0x53: {  	_ =	shalt  }
0x54: {  	_ =	shalt  }
0x55: {  	_ =	shalt  }
0x56: {  	_ =	shalt  }
0x57: {  	_ =	shalt  }
0x58: {  	_ =	shalt  }
0x59: {  	_ =	shalt  }
0x5a: {  	_ =	shalt  }
0x5b: {  	_ =	shalt  }
0x5c: {  	_ =	shalt  }
0x5d: {  	_ =	shalt  }
0x5e: {  	_ =	shalt  }
0x5f: {  	_ =	shalt  }
0x60: {  	_ =	shalt  }
0x61: {  	_ =	shalt  }
0x62: {  	_ =	shalt  }
0x63: {  	_ =	shalt  }
0x64: {  	_ =	shalt  }
0x65: {  	_ =	shalt  }
0x66: {  	_ =	shalt  }
0x67: {  	_ =	shalt  }
0x68: {  	_ =	shalt  }
0x69: {  	_ =	shalt  }
0x6a: {  	_ =	shalt  }
0x6b: {  	_ =	shalt  }
0x6c: {  	_ =	shalt  }
0x6d: {  	_ =	shalt  }
0x6e: {  	_ =	shalt  }
0x6f: {  	_ =	shalt  }
0x70: {  	_ =	shalt  }
0x71: {  	_ =	shalt  }
0x72: {  	_ =	shalt  }
0x73: {  	_ =	shalt  }
0x74: {  	_ =	shalt  }
0x75: {  	_ =	shalt  }
0x76: {  	_ =	shalt  }
0x77: {  	_ =	shalt  }
0x78: {  	_ =	shalt  }
0x79: {  	_ =	shalt  }
0x7a: {  	_ =	shalt  }
0x7b: {  	_ =	shalt  }
0x7c: {  	_ =	shalt  }
0x7d: {  	_ =	shalt  }
0x7e: {  	_ =	shalt  }
0x7f: {  	_ =	shalt  }
0x80: {  	_ =	shalt  }
0x81: {  	_ =	shalt  }
0x82: {  	_ =	shalt  }
0x83: {  	_ =	shalt  }
0x84: {  	_ =	shalt  }
0x85: {  	_ =	shalt  }
0x86: {  	_ =	shalt  }
0x87: {  	_ =	shalt  }
.Lfunc_end0:
.L_simem_size_0:
called_computation_lowered:
.L_overlay_start_0:
0x88: {  	s2 =	sld [smem:$0x3FD9]  }
0x89: {  	s3 =	sld [smem:$0x3FFE];
	_ =	sdelay $0x1  }
0x8a: {  	s1 =	srdreg.scid  }
0x8b: {  	s0 =	sand.u32 $0x1, s1  }
0x8c: {  	s16 =	sshll.u32 s0, $0xA;
	s2 =	sadd.s32 s3, s2  }
0x8d: {  	s2 =	sadd.s32 s2, s16  }
0x8e: {  	[smem:$0x3FC2] =	sst s2  }
0x8f: {  	_ = 	snop  }
0x90: {  	(tm) =	ssettm $0x1  }
0x91: {  	s17 =	sld [smem:$0x3FFB];
	_ =	sdelay $0x3  }
0x92: {  	_ =	strace s17  }
0x93: {  	s2 =	sld [smem:$0x3FFC];
	_ =	sdelay $0x3  }
0x94: {  	_ =	strace s2  }
0x95: {  	s2 =	sld [smem:$0x3FFD];
	_ =	sdelay $0x3  }
0x96: {  	_ =	strace s2  }
0x97: {  	_ =	strace $0x8FFFFFFF  }
0x98: {  	s18 =	sld [smem:$0x3FDB];
	_ =	sdelay $0x1  }
0x99: {  	s19 =	simm.s32 $_scs_section_size  }
0x9a: {  	s4 =	simm.s32 $_size__tile_overlayer_lowered;
	s5 =	simm.s32 $_tile_overlayer_lowered  }
0x9b: {  	s22 =	simm.s32 $0x1BFF;
	s21 =	sshll.u32 s5, $0x1;
	s2 =	sadd.s32 s19, s18  }
0x9c: {  	s6 =	simm.s32 $0x0;
	s20 =	sshll.u32 s4, $0x1;
	s4 =	sadd.s32 s21, s2  }
0x9d: {  	[timem:s6], [sflag:s22] =	dma.local [hbm:s4], s20  }
0x9e: {  	_ =	swait.ge [sflag:s22], s20  }
0x9f: {  	s3 =	ssub.s32 $0x0, s20;
	[sflag:s22] =	ssyncset.done $0x0  }
0xa0: {  	[sflag:s22] =	ssyncadd.s32 s3;
	_ =	sdelay $0x1  }
0xa1: {  	s23 =	simm.s32 $0x1B8B  }
0xa2: {  	_ =	swait.ge [sflag:s23], $0x1  }
0xa3: {  	[sflag:s23] =	ssyncset.done $0x0  }
0xa4: {  	s25 =	simm.s32 $0x1B8E;
	s24 =	sld [smem:$0x3FFE];
	[sflag:s23] =	ssyncadd.s32 $0xFFFFFFFF  }
0xa5: {  	s26 =	simm.s32 $execute0_lowered;
	[smem:$0x3FD2] =	sst s25  }
0xa6: {  	s4 =	sshll.u32 s26, $0x1;
	_ =	strace $0x80000046;
	[dreg:$0x1] =	wrdreg $0xFFFFFFFF  }
0xa7: {  	s28 =	simm.s32 $_size_execute0_lowered;
	s2 =	sadd.s32 s2, s4;
	[dreg:$0x0] =	wrdreg $0x0  }
0xa8: {  	s4 =	sshll.u32 s28, $0x1;
	[dreg:$0x2] =	wrdreg s2  }
0xa9: {  	[dreg:$0x3] =	wrdreg s4  }
0xaa: {  	[dreg:$0x4] =	wrdreg $0xC0  }
0xab: {  	_ =	task [dreg:s6], $0x5FFFF  }
0xac: {  	[dreg:$0x1] =	wrdreg $0xFFFFFFFF  }
0xad: {  	[dreg:$0x0] =	wrdreg $0x60  }
0xae: {  	[dreg:$0x2] =	wrdreg s24  }
0xaf: {  	[dreg:$0x3] =	wrdreg $0x2B800  }
0xb0: {  	[dreg:$0x4] =	wrdreg $0x9  }
0xb1: {  	_ =	task.clear_ibuf [dreg:s6], $0x5FFFF;
	_ =	strace $0x90000046  }
0xb2: {  	s29 =	simm.s32 $0x9;
	_ =	strace $0x80000048  }
0xb3: {  	_ =	swait.ge [sflag:s29], $0x1  }
0xb4: {  	[sflag:s29] =	ssyncadd.s32 $0xFFFFFFFF  }
0xb5: {  	_ =	strace $0x90000048  }
0xb6: {  	_ =	sfence  }
0xb7: {  	s30 =	sld [smem:$0x0];
	_ =	sdelay $0x2  }
0xb8: {  	s31 =	sshll.u32 s1, $0xD;
	s1 =	sshrl.u32 s1, $0x2  }
0xb9: {  	s3 =	sand.u32 $0x4000, s31;
	s1 =	sadd.s32 s1, s30  }
0xba: {  	s0 =	sor.u32 s3, s0;
	s1 =	sshll.u32 s1, $0x11  }
0xbb: {  	s0 =	sor.u32 s1, s0  }
0xbc: {  	s0 =	sadd.s32 $0x8F2B, s0  }
0xbd: {  	[sflag:s0] =	ssyncadd.remote.s32 $0x1  }
0xbe: {  	_ =	sfence.sel $0xFFFF  }
0xbf: {  	[dreg:$0x0] =	wrdreg $0xFFFFFFFF;
	(pc) =	sbr.abs _section_cstart, $3  }
0xc0: {  	[dreg:$0x1] =	wrdreg $0xFFFFFFFF  }
0xc1: {  	_ =	task.clear_ibuf [dreg:s6], $0x2FFFF;
	_ =	strace $0x9FFFFFFF  }
0xc2: {  	(tm) =	ssettm $0x7FFFFFFF  }
0xc3: {  	_ =	shalt  }
tec
execute0_lowered:
.L_overlay_start_1:
0x0: {  	(tag) =	ssettag $0x1  }
0x1: {  	s4 =	rddreg [dreg:$0x0]  }
0x2: {  	s2 =	rddreg [dreg:$0x1]  }
0x3: {  	s0 =	rddreg [dreg:$0x2]  }
0x4: {  	s5 =	srdreg.scid;
	s1 =	stileid.u32;
	s3 =	simm.s32 $0x0  }
0x5: {  	s12 =	simm.s32 $0x80;
	s13 =	simm.s32 $0x2880;
	s15 =	simm.s32 $0x100  }
0x6: {  	s16 =	simm.s32 $0x0;
	s5 =	sand.u32 $0x1, s5;
	s6 =	smul.u32 $0x500, s1  }
0x7: {  	[smem:$0x7FF] =	sst s3;
	s8 =	sadd.s32 $0x1C00, s4;
	s26 =	smul.u32 $0xA00, s1  }
0x8: {  	s11 =	smul.u32 $0x2700, s1;
	s29 =	sshll.u32 s1, $0x4;
	s7 =	sshll.u32 s5, $0x7  }
0x9: {  	_ =	strace $0x80000047;
	s28 =	ssub.s32 $0x2, s5;
	s9 =	smul.u32 $0x27000, s5  }
0xa: {  	s5 =	sshll.u32 s5, $0x4;
	s31 =	sadd.s32 s29, s8;
	s6 =	sor.u32 s7, s6  }
0xb: {  	s10 =	sshrl.u32 s28, $0x1;
	s14 =	sor.u32 s1, s5;
	s30 =	sshrl.u32 s26, $0x2  }
0xc: {  	s5 =	sadd.s32 $0x9C00, s31;
	s6 =	sshrl.u32 s6, $0x3;
	s10 =	ssub.s32 s28, s10  }
0xd: {  	s9 =	sadd.s32 s11, s9;
	s11 =	simm.s32 $0x1;
	p0 =	sgt.u32 s14, $0x3  }
0xe: {  	s14 =	simm.s32 $0x2;
	s6 =	sadd.s32 s6, s4;
	s4 =	sadd.s32 s30, s2  }
0xf: {  	s9 =	sshrl.u32 s9, $0x3;
	s7 =	smax.u32 s10, $0x1;
	s10 =	simm.s32 $0x3  }
0x10: {  	v0 =	vimm.f32 $1.000000000e+00;
	v1 =	vimm.f32 $0.0e+00;
	s6 =	sadd.s32 $0xBA00, s6;
	s8 =	sadd.s32 s9, s8;
	s9 =	simm.s32 $0x2900  }
.LBB2_1:
0x11: {  	s17 =	simm.s32 $0x10  }
0x12: {  	s20 =	sadd.s32 $0x0, s8;
	s18 =	simm.s32 $0x80;
	s19 =	simm.s32 $0x0  }
.LBB2_2:
0x13: {  	[tilespmem:s19], [sflag:$0x1] =	stream.linear.gather [hbm4b:s20+s3], $0x80, $0x38;
	[tilespmem:$0x2E00] =	vst v63  }
0x14: {  	s20 =	smov.u32 s17;
	s19 =	smov.u32 s18;
	p1 =	sne.s32 s17, $0x4D0  }
.Ltmp0:
0x15: {  	s17 =	sadd.s32 $0x10, s17;
	(pc) =	sbr.rel @p1 .LBB2_2-.Ltmp0, $2  }
0x16: {  	_ =	sdelay $0x2  }
0x17: {  	s18 =	sadd.s32 $0x80, s18;
	s20 =	sadd.s32 s20, s8  }
0x18: {  	[tilespmem:s19], [sflag:$0x1] =	stream.linear.gather [hbm4b:s20+s3], $0x80, $0x38;
	[tilespmem:$0x2E00] =	vst v63  }
0x19: {  	[tilespmem:$0x2880] =	vst v0  }
0x1a: {  	[tilespmem:$0x2890] =	vst v0  }
0x1b: {  	[tilespmem:$0x28A0] =	vst v0  }
0x1c: {  	[tilespmem:$0x28B0] =	vst v0  }
0x1d: {  	[tilespmem:$0x28C0] =	vst v0  }
0x1e: {  	[tilespmem:$0x28D0] =	vst v0  }
0x1f: {  	[tilespmem:$0x28E0] =	vst v0  }
0x20: {  	[tilespmem:$0x28F0] =	vst v0  }
0x21: {  	[tilespmem:$0x2900] =	vst v1  }
0x22: {  	[tilespmem:$0x2910] =	vst v1  }
0x23: {  	[tilespmem:$0x2920] =	vst v1  }
0x24: {  	[tilespmem:$0x2930] =	vst v1  }
0x25: {  	[tilespmem:$0x2940] =	vst v1  }
0x26: {  	[tilespmem:$0x2950] =	vst v1  }
0x27: {  	[tilespmem:$0x2960] =	vst v1  }
0x28: {  	[tilespmem:$0x2970] =	vst v1  }
0x29: {  	[tilespmem:$0x2980] =	vst v1  }
0x2a: {  	[tilespmem:$0x2990] =	vst v1  }
0x2b: {  	[tilespmem:$0x29A0] =	vst v1  }
0x2c: {  	[tilespmem:$0x29B0] =	vst v1  }
0x2d: {  	[tilespmem:$0x29C0] =	vst v1  }
0x2e: {  	[tilespmem:$0x29D0] =	vst v1  }
0x2f: {  	[tilespmem:$0x29E0] =	vst v1  }
0x30: {  	[tilespmem:$0x29F0] =	vst v1  }
0x31: {  	[tilespmem:$0x2A00] =	vst v1  }
0x32: {  	[tilespmem:$0x2A10] =	vst v1  }
0x33: {  	[tilespmem:$0x2A20] =	vst v1  }
0x34: {  	[tilespmem:$0x2A30] =	vst v1  }
0x35: {  	[tilespmem:$0x2A40] =	vst v1  }
0x36: {  	[tilespmem:$0x2A50] =	vst v1  }
0x37: {  	[tilespmem:$0x2A60] =	vst v1  }
0x38: {  	[tilespmem:$0x2A70] =	vst v1  }
0x39: {  	[tilespmem:$0x2A80] =	vst v1  }
0x3a: {  	[tilespmem:$0x2A90] =	vst v1  }
0x3b: {  	[tilespmem:$0x2AA0] =	vst v1  }
0x3c: {  	[tilespmem:$0x2AB0] =	vst v1  }
0x3d: {  	[tilespmem:$0x2AC0] =	vst v1  }
0x3e: {  	[tilespmem:$0x2AD0] =	vst v1  }
0x3f: {  	[tilespmem:$0x2AE0] =	vst v1  }
0x40: {  	[tilespmem:$0x2AF0] =	vst v1  }
0x41: {  	[tilespmem:$0x2B00] =	vst v1  }
0x42: {  	[tilespmem:$0x2B10] =	vst v1  }
0x43: {  	[tilespmem:$0x2B20] =	vst v1  }
0x44: {  	[tilespmem:$0x2B30] =	vst v1  }
0x45: {  	[tilespmem:$0x2B40] =	vst v1  }
0x46: {  	[tilespmem:$0x2B50] =	vst v1  }
0x47: {  	[tilespmem:$0x2B60] =	vst v1  }
0x48: {  	[tilespmem:$0x2B70] =	vst v1  }
0x49: {  	[spmem:s4] =	stream.linear.scatter [tilespmem:s9], [sflag:$0x3], $0x280, $0x38;
	[tilespmem:$0x2E00] =	vst v63  }
0x4a: {  	_ =	swait.ge [sflag:s10], $0x280  }
0x4b: {  	[sflag:s10] =	ssyncset.done $0x0  }
0x4c: {  	[sflag:s10] =	ssyncadd.s32 $0xFFFFFD80  }
0x4d: {  	_ =	swait.ge [sflag:s11], $0x80  }
0x4e: {  	s17 =	simm.s32 $0x4D;
	[sflag:s11] =	ssyncset.done $0x0  }
.LBB2_4:
0x4f: {  	p1 =	sne.s32 s17, $0x1;
	s17 =	sadd.s32 $0xFFFFFFFF, s17;
	[sflag:s11] =	ssyncadd.s32 $0xFFFFFF80  }
.Ltmp1:
0x50: {  	(pc) =	sbr.rel @p1 .LBB2_4-.Ltmp1, $3  }
0x51: {  	_ =	sdelay $0x1  }
0x52: {  	_ =	swait.ge [sflag:s11], $0x80  }
0x53: {  	[sflag:s11] =	ssyncset.done $0x0  }
0x54: {  	[sflag:s11] =	ssyncadd.s32 $0xFFFFFF80  }
0x55: {  	s17 =	simm.s32 $0x200;
	s18 =	simm.s32 $0x0;
	[bflag:$0x0] =	sbarrier.arrive $0xFFFF  }
.LBB2_6:
0x56: {  	[spmem:s2] =	stream.indirect.scatter.add.f32 [tilespmem:s13], [sflag:$0x2], $0x1, s18, s12, $0xb8;
	[tilespmem:$0x2E00] =	vst v63  }
0x57: {  	s18 =	smov.u32 s17;
	p1 =	sne.s32 s17, $0x9A00  }
.Ltmp2:
0x58: {  	s17 =	sadd.s32 $0x200, s17;
	(pc) =	sbr.rel @p1 .LBB2_6-.Ltmp2, $2  }
0x59: {  	_ =	sdelay $0x2  }
0x5a: {  	s18 =	sshra.s32 s18, $0x2  }
0x5b: {  	[spmem:s2] =	stream.indirect.scatter.add.f32 [tilespmem:s13], [sflag:$0x2], $0x1, s18, s12, $0xb8;
	[tilespmem:$0x2E00] =	vst v63  }
0x5c: {  	s17 =	simm.s32 @!p0 $0x0;
	s18 =	simm.s32 @!p0 $0x2800  }
0x5d: {  	[tilespmem:s18], [sflag:$0x3] =	stream.linear.gather @!p0 [hbm4b:s5+s17], $0x80, $0x38;
	[tilespmem:$0x2E00] =	vst v63  }
0x5e: {  	s17 =	simm.s32 @!p0 $0x3  }
0x5f: {  	_ =	swait.ge @!p0 [sflag:s17], $0x80  }
0x60: {  	[sflag:s17] =	ssyncset.done @!p0 $0x0  }
0x61: {  	s19 =	simm.s32 @!p0 $0x80;
	s20 =	simm.s32 @!p0 $0x2880;
	[sflag:s17] =	ssyncadd.s32 @!p0 $0xFFFFFF80  }
0x62: {  	[spmem:s2] =	stream.indirect.scatter.add.f32 @!p0 [tilespmem:s20], [sflag:$0x3], $0x1, s18, s19, $0xb8;
	[tilespmem:$0x2E00] =	vst v63  }
0x63: {  	_ =	swait.ge @!p0 [sflag:s17], $0x80  }
0x64: {  	[sflag:s17] =	ssyncset.done @!p0 $0x0  }
0x65: {  	[sflag:s17] =	ssyncadd.s32 @!p0 $0xFFFFFF80  }
0x66: {  	_ =	swait.ge [sflag:s14], $0x80  }
0x67: {  	s17 =	simm.s32 $0x4D;
	[sflag:s14] =	ssyncset.done $0x0  }
.LBB2_8:
0x68: {  	p1 =	sne.s32 s17, $0x1;
	s17 =	sadd.s32 $0xFFFFFFFF, s17;
	[sflag:s14] =	ssyncadd.s32 $0xFFFFFF80  }
.Ltmp3:
0x69: {  	(pc) =	sbr.rel @p1 .LBB2_8-.Ltmp3, $3  }
0x6a: {  	_ =	sdelay $0x1  }
0x6b: {  	_ =	swait.ge [sflag:s14], $0x80  }
0x6c: {  	[sflag:s14] =	ssyncset.done $0x0  }
0x6d: {  	[sflag:s14] =	ssyncadd.s32 $0xFFFFFF80  }
0x6e: {  	[bflag:$0x0] =	sbarrier.arrive $0xFFFF  }
0x6f: {  	[tilespmem:s9], [sflag:$0x3] =	stream.linear.gather [spmem:s4], $0x280, $0x38;
	[tilespmem:$0x2E00] =	vst v63  }
0x70: {  	s16 =	sadd.s32 $0x1, s16;
	_ =	swait.ge [sflag:s10], $0x280  }
0x71: {  	p1 =	sne.s32 s16, s7;
	[sflag:s10] =	ssyncset.done $0x0  }
.Ltmp4:
0x72: {  	[sflag:s10] =	ssyncadd.s32 $0xFFFFFD80;
	(pc) =	sbr.rel @p1 .LBB2_1-.Ltmp4, $4  }
0x73: {  	[hbm4b:s6+s12] =	stream.strided.scatter [tilespmem:s9], [sflag:$0x3], $0x280, s15, s12, $0x38;
	[tilespmem:$0x2E00] =	vst v63  }
0x74: {  	_ =	swait.ge [sflag:s10], $0x280  }
0x75: {  	[sflag:s10] =	ssyncset.done $0x0  }
0x76: {  	[sflag:s10] =	ssyncadd.s32 $0xFFFFFD80  }
0x77: {  	_ =	sfence.sel $0x180000  }
0x78: {  	[bflag:$0x0] =	sbarrier.arrive $0xFFFF  }
0x79: {  	p0 =	sne.s32 s1, $0x0;
	_ =	strace $0x90000047  }
0x7a: {  	s0 =	sadd.s32 @!p0 $0x100000, s0;
	[bflag:$0x2] =	sbarrier.arrive $0xFFFF  }
0x7b: {  	[sflag:s0] =	ssyncadd.tile.s32 @!p0 $0x1;
	_ =	shalt  }
.Lfunc_end2:
_tile_overlayer_lowered:
.L_overlay_start_2:
0x7c: {  	(tag) =	ssettag $0x2  }
0x7d: {  	s0 =	rddreg [dreg:$0x0];
	s2 =	stileid.u32  }
0x7e: {  	s1 =	rddreg [dreg:$0x1];
	p0 =	sne.s32 s2, $0x0  }
0x7f: {  	s3 =	rddreg [dreg:$0x2];
	[bflag:$0x3] =	sbarrier.arrive $0xFFFF;
	s2 =	simm.s32 @!p0 $0x1C03  }
0x80: {  	[timem:s3], [sflag:s2] =	dma.local @!p0 [hbm:s0], s1  }
0x81: {  	s0 =	simm.s32 @!p0 $0x3  }
0x82: {  	_ =	swait.ge @!p0 [sflag:s0], s1  }
0x83: {  	s1 =	ssub.s32 @!p0 $0x0, s1;
	[sflag:s0] =	ssyncset.done @!p0 $0x0  }
0x84: {  	[sflag:s0] =	ssyncadd.s32 @!p0 s1  }
0x85: {  	[bflag:$0x3] =	sbarrier.arrive $0xFFFF  }
0x86: {  	_ =	shalt  }

</sc_bundles>
